<compile_context>
chip_gen: v7x
topology: tpu7x:2x2x1
jax: 0.10.2.dev20260603
libtpu: 0.0.44.dev20260713+nightly
codegen_flags: <defaults>
</compile_context>

<pallas_src>
import functools

import jax
import jax.numpy as jnp
from jax import lax
from jax.experimental import pallas as pl
from jax.experimental.pallas import tpu as pltpu
from jax.experimental.pallas import tpu_sc as plsc

_INFO = plsc.get_sparse_core_info()
_NC, _NS = _INFO.num_cores, _INFO.num_subcores
_NW = _NC * _NS

_CHUNK = 128
_LANE = 128


def _make_gather(vocab: int, dim: int, dim_pad: int, n_idx: int):
  assert n_idx % (_NW * _CHUNK) == 0
  per_w = n_idx // _NW
  n_chunks = per_w // _CHUNK
  assert n_chunks % 2 == 0
  mesh = plsc.VectorSubcoreMesh(core_axis_name="c", subcore_axis_name="s")

  @functools.partial(
      pl.kernel,
      mesh=mesh,
      out_type=jax.ShapeDtypeStruct((n_idx, dim_pad), jnp.float32),
      scratch_types=[
          pltpu.VMEM((n_chunks, _CHUNK), jnp.int32),
          pltpu.VMEM((_CHUNK, dim_pad), jnp.float32),
          pltpu.VMEM((_CHUNK, dim_pad), jnp.float32),
          pltpu.SemaphoreType.DMA,
          pltpu.SemaphoreType.DMA,
          pltpu.SemaphoreType.DMA,
          pltpu.SemaphoreType.DMA,
      ],
  )
  def gather_kernel(table_hbm, idx_hbm, out_hbm, idx_v, rows_a, rows_b,
                    gsem_a, gsem_b, osem_a, osem_b):
    wid = lax.axis_index("s") * _NC + lax.axis_index("c")
    pltpu.sync_copy(idx_hbm.at[pl.ds(wid * n_chunks, n_chunks)], idx_v)
    base = wid * per_w

    def fire_gather(c, rows, gsem):
      pltpu.async_copy(table_hbm.at[idx_v.at[c]], rows, gsem)

    def wait_gather(rows, gsem):
      pltpu.make_async_copy(table_hbm.at[pl.ds(0, _CHUNK)], rows, gsem).wait()

    def fire_out(c, rows, osem):
      pltpu.async_copy(rows, out_hbm.at[pl.ds(base + c * _CHUNK, _CHUNK)],
                       osem)

    def drain_out(rows, osem):
      pltpu.make_async_copy(rows, out_hbm.at[pl.ds(0, _CHUNK)], osem).wait()

    def chunk_body(i, carry):
      @pl.when(lax.rem(i, 2) == 0)
      def _even():
        @pl.when(i >= 2)
        def _():
          drain_out(rows_a, osem_a)

        fire_gather(i, rows_a, gsem_a)

        @pl.when(i >= 1)
        def _():
          wait_gather(rows_b, gsem_b)
          fire_out(i - 1, rows_b, osem_b)

      @pl.when(lax.rem(i, 2) == 1)
      def _odd():
        @pl.when(i >= 2)
        def _():
          drain_out(rows_b, osem_b)

        fire_gather(i, rows_b, gsem_b)
        wait_gather(rows_a, gsem_a)
        fire_out(i - 1, rows_a, osem_a)

      return carry

    lax.fori_loop(0, n_chunks, chunk_body, 0)

    wait_gather(rows_b, gsem_b)
    fire_out(n_chunks - 1, rows_b, osem_b)
    drain_out(rows_a, osem_a)
    drain_out(rows_b, osem_b)

  return gather_kernel


def kernel(x, table):
  batch, hist = x.shape
  vocab, dim = table.shape
  dim_pad = (dim + _LANE - 1) // _LANE * _LANE
  n_idx = batch * hist
  idx2d = x.reshape(n_idx // _CHUNK, _CHUNK).astype(jnp.int32)
  table_p = jnp.pad(table, ((0, 0), (0, dim_pad - dim)))
  out = _make_gather(vocab, dim, dim_pad, n_idx)(table_p, idx2d)
  return out[:, :dim].reshape(batch, hist, dim)

# --- scband reference (transcript-rebuilt; emitter-appended) ---
"""Pipeline reference for scband-glove-embedding-41068477285069 (READ-ONLY COPY).

The authoritative reference and input builder live on the scoring server;
editing this copy changes nothing except your own understanding.
"""

import jax, jax.numpy as jnp
import numpy as np

VOCAB = 100000
DIM = 300
BATCH = 4096
HIST = 200


def setup_inputs(seed: int = 0) -> dict:
    key = jax.random.key(seed)
    k_idx, k_tab = jax.random.split(key)
    x = jax.random.randint(k_idx, (BATCH, HIST), 0, VOCAB, dtype=jnp.int64 if jax.config.jax_enable_x64 else jnp.int32)
    table = jax.random.normal(k_tab, (VOCAB, DIM), dtype=jnp.float32)
    # padding_idx=0: from_pretrained with padding_idx does not zero the row at init,
    # it only freezes its gradient; the forward lookup is a plain gather.
    return {"x": x, "table": table}


def reference(x, table):
    # GloveEmbedding.forward: self.embedding(x) -> pure embedding gather
    return jnp.take(table, x, axis=0)

if __name__ == "__main__":
    import jax
    _d = setup_inputs()
    print(jax.jit(kernel)(*tuple(_d.values())))

</pallas_src>

<mosaic_0001>
#map = affine_map<(d0, d1) -> (0, 0)>
module attributes {stable_mosaic.version = 14 : i64} {
  func.func @gather_kernel(%arg0: i32, %arg1: i32, %arg2: memref<100000x384xf32, #tpu.memory_space<hbm>>, %arg3: memref<6400x128xi32, #tpu.memory_space<hbm>>, %arg4: memref<819200x384xf32, #tpu.memory_space<hbm>>, %arg5: memref<200x128xi32, #tpu.memory_space<vmem>>, %arg6: memref<128x384xf32, #tpu.memory_space<vmem>>, %arg7: memref<128x384xf32, #tpu.memory_space<vmem>>, %arg8: memref<!tpu.dma_semaphore, #tpu.memory_space<semaphore_mem>>, %arg9: memref<!tpu.dma_semaphore, #tpu.memory_space<semaphore_mem>>, %arg10: memref<!tpu.dma_semaphore, #tpu.memory_space<semaphore_mem>>, %arg11: memref<!tpu.dma_semaphore, #tpu.memory_space<semaphore_mem>>) attributes {dimension_semantics = [#tpu.dimension_semantics<core_parallel>, #tpu.dimension_semantics<subcore_parallel>], iteration_bounds = array<i64: 2, 16>, scalar_prefetch = 0 : i64, scratch_operands = 7 : i64, tpu.core_type = #tpu.core_type<sc_vector_subcore>, window_params = [{transform_indices = #map}, {transform_indices = #map}, {transform_indices = #map}]} {
    %mul3A = arith.constant 2 : i32
    %mul3A_0 = arith.muli %arg1, %mul3A : i32
    %add3A = arith.addi %mul3A_0, %arg0 : i32
    %mul3A_1 = arith.constant 200 : i32
    %mul3A_2 = arith.muli %add3A, %mul3A_1 : i32
    "tpu.region"() ({
      %run_scoped3A = tpu.sem_alloc : memref<!tpu.dma_semaphore, #tpu.memory_space<semaphore_mem>>
      %dma_start3A_32 = arith.constant 0 : i32
      %dma_start3A_33 = tpu.memref_slice %arg3[%mul3A_2, %dma_start3A_32] : memref<6400x128xi32, #tpu.memory_space<hbm>> -> memref<200x128xi32, #tpu.memory_space<hbm>>
      %dma_start3A_34 = arith.constant 0 : i32
      %dma_start3A_35 = tpu.memref_slice %arg3[%mul3A_2, %dma_start3A_34] : memref<6400x128xi32, #tpu.memory_space<hbm>> -> memref<200x128xi32, #tpu.memory_space<hbm>>
      tpu.enqueue_dma source(%dma_start3A_35 : memref<200x128xi32, #tpu.memory_space<hbm>>) target(%arg5 : memref<200x128xi32, #tpu.memory_space<vmem>>) target_semaphore(%run_scoped3A : memref<!tpu.dma_semaphore, #tpu.memory_space<semaphore_mem>>)
      %dma_wait3A_36 = arith.constant 0 : i32
      %dma_wait3A_37 = tpu.memref_slice %arg3[%mul3A_2, %dma_wait3A_36] : memref<6400x128xi32, #tpu.memory_space<hbm>> -> memref<200x128xi32, #tpu.memory_space<hbm>>
      %dma_wait3A_38 = arith.constant 0 : i32
      %dma_wait3A_39 = tpu.memref_slice %arg3[%mul3A_2, %dma_wait3A_38] : memref<6400x128xi32, #tpu.memory_space<hbm>> -> memref<200x128xi32, #tpu.memory_space<hbm>>
      tpu.wait_dma2 semaphore(%run_scoped3A : memref<!tpu.dma_semaphore, #tpu.memory_space<semaphore_mem>>) src(%dma_wait3A_39 : memref<200x128xi32, #tpu.memory_space<hbm>>) dst(%arg5 : memref<200x128xi32, #tpu.memory_space<vmem>>)
      tpu.yield
    }) : () -> ()
    %mul3A_3 = arith.constant 25600 : i32
    %mul3A_4 = arith.muli %add3A, %mul3A_3 : i32
    %scan3A = arith.constant 0 : i32
    %scan3A_5 = arith.constant 0 : i32
    %scan3A_6 = arith.constant 200 : i32
    %scan3A_7 = arith.addi %scan3A_5, %scan3A_6 : i32
    %scan3A_8 = arith.constant 1 : i32
    scf.for %scan3A_32 = %scan3A_5 to %scan3A_7 step %scan3A_8  : i32 {
      %rem3A = arith.constant 2 : i32
      %rem3A_33 = arith.remsi %scan3A_32, %rem3A : i32
      %eq3A = arith.constant 0 : i32
      %eq3A_34 = arith.cmpi eq, %rem3A_33, %eq3A : i32
      %convert_element_type3A = arith.extui %eq3A_34 : i1 to i32
      %cond3A = arith.constant 0 : i32
      %cond3A_35 = arith.cmpi ne, %convert_element_type3A, %cond3A : i32
      scf.if %cond3A_35 {
        %ge3A = arith.constant 2 : i32
        %ge3A_43 = arith.cmpi sge, %scan3A_32, %ge3A : i32
        %convert_element_type3A_44 = arith.extui %ge3A_43 : i1 to i32
        %cond3A_45 = arith.constant 0 : i32
        %cond3A_46 = arith.cmpi ne, %convert_element_type3A_44, %cond3A_45 : i32
        scf.if %cond3A_46 {
          %dma_wait3A_58 = arith.constant 0 : i32
          %dma_wait3A_59 = arith.constant 0 : i32
          %dma_wait3A_60 = tpu.memref_slice %arg4[%dma_wait3A_58, %dma_wait3A_59] : memref<819200x384xf32, #tpu.memory_space<hbm>> -> memref<128x384xf32, #tpu.memory_space<hbm>>
          %dma_wait3A_61 = arith.constant 0 : i32
          %dma_wait3A_62 = arith.constant 0 : i32
          %dma_wait3A_63 = tpu.memref_slice %arg4[%dma_wait3A_61, %dma_wait3A_62] : memref<819200x384xf32, #tpu.memory_space<hbm>> -> memref<128x384xf32, #tpu.memory_space<hbm>>
          tpu.wait_dma2 semaphore(%arg10 : memref<!tpu.dma_semaphore, #tpu.memory_space<semaphore_mem>>) src(%arg6 : memref<128x384xf32, #tpu.memory_space<vmem>>) dst(%dma_wait3A_63 : memref<128x384xf32, #tpu.memory_space<hbm>>)
        } else {
        }
        %dma_start3A_47 = arith.constant 0 : i32
        %dma_start3A_48 = tpu.memref_slice %arg5[%scan3A_32, %dma_start3A_47] : memref<200x128xi32, #tpu.memory_space<vmem>> -> memref<1x128xi32, #tpu.memory_space<vmem>>
        %dma_start3A_49 = tpu.memref_squeeze %dma_start3A_48 : memref<1x128xi32, #tpu.memory_space<vmem>> -> memref<128xi32, #tpu.memory_space<vmem>>
        %dma_start3A_50 = arith.constant 0 : i32
        %dma_start3A_51 = arith.constant 0 : i32
        %dma_start3A_52 = tpu.memref_slice %arg2[%dma_start3A_50, %dma_start3A_51] : memref<100000x384xf32, #tpu.memory_space<hbm>> -> memref<100000x384xf32, #tpu.memory_space<hbm>>
        tpu.enqueue_indirect_dma source(%dma_start3A_52 : memref<100000x384xf32, #tpu.memory_space<hbm>>) target(%arg6 : memref<128x384xf32, #tpu.memory_space<vmem>>) offsets(%dma_start3A_49 : memref<128xi32, #tpu.memory_space<vmem>>) semaphore(%arg8 : memref<!tpu.dma_semaphore, #tpu.memory_space<semaphore_mem>>)
        %ge3A_53 = arith.constant 1 : i32
        %ge3A_54 = arith.cmpi sge, %scan3A_32, %ge3A_53 : i32
        %convert_element_type3A_55 = arith.extui %ge3A_54 : i1 to i32
        %cond3A_56 = arith.constant 0 : i32
        %cond3A_57 = arith.cmpi ne, %convert_element_type3A_55, %cond3A_56 : i32
        scf.if %cond3A_57 {
          %dma_wait3A_58 = arith.constant 0 : i32
          %dma_wait3A_59 = arith.constant 0 : i32
          %dma_wait3A_60 = tpu.memref_slice %arg2[%dma_wait3A_58, %dma_wait3A_59] : memref<100000x384xf32, #tpu.memory_space<hbm>> -> memref<128x384xf32, #tpu.memory_space<hbm>>
          %dma_wait3A_61 = arith.constant 0 : i32
          %dma_wait3A_62 = arith.constant 0 : i32
          %dma_wait3A_63 = tpu.memref_slice %arg2[%dma_wait3A_61, %dma_wait3A_62] : memref<100000x384xf32, #tpu.memory_space<hbm>> -> memref<128x384xf32, #tpu.memory_space<hbm>>
          tpu.wait_dma2 semaphore(%arg9 : memref<!tpu.dma_semaphore, #tpu.memory_space<semaphore_mem>>) src(%dma_wait3A_63 : memref<128x384xf32, #tpu.memory_space<hbm>>) dst(%arg7 : memref<128x384xf32, #tpu.memory_space<vmem>>)
          %sub3A = arith.constant 1 : i32
          %sub3A_64 = arith.subi %scan3A_32, %sub3A : i32
          %mul3A_65 = arith.constant 128 : i32
          %mul3A_66 = arith.muli %sub3A_64, %mul3A_65 : i32
          %add3A_67 = arith.addi %mul3A_4, %mul3A_66 : i32
          %dma_start3A_68 = arith.constant 0 : i32
          %dma_start3A_69 = tpu.memref_slice %arg4[%add3A_67, %dma_start3A_68] : memref<819200x384xf32, #tpu.memory_space<hbm>> -> memref<128x384xf32, #tpu.memory_space<hbm>>
          %dma_start3A_70 = arith.constant 0 : i32
          %dma_start3A_71 = tpu.memref_slice %arg4[%add3A_67, %dma_start3A_70] : memref<819200x384xf32, #tpu.memory_space<hbm>> -> memref<128x384xf32, #tpu.memory_space<hbm>>
          tpu.enqueue_dma source(%arg7 : memref<128x384xf32, #tpu.memory_space<vmem>>) target(%dma_start3A_71 : memref<128x384xf32, #tpu.memory_space<hbm>>) target_semaphore(%arg11 : memref<!tpu.dma_semaphore, #tpu.memory_space<semaphore_mem>>)
        } else {
        }
      } else {
      }
      %rem3A_36 = arith.constant 2 : i32
      %rem3A_37 = arith.remsi %scan3A_32, %rem3A_36 : i32
      %eq3A_38 = arith.constant 1 : i32
      %eq3A_39 = arith.cmpi eq, %rem3A_37, %eq3A_38 : i32
      %convert_element_type3A_40 = arith.extui %eq3A_39 : i1 to i32
      %cond3A_41 = arith.constant 0 : i32
      %cond3A_42 = arith.cmpi ne, %convert_element_type3A_40, %cond3A_41 : i32
      scf.if %cond3A_42 {
        %ge3A = arith.constant 2 : i32
        %ge3A_43 = arith.cmpi sge, %scan3A_32, %ge3A : i32
        %convert_element_type3A_44 = arith.extui %ge3A_43 : i1 to i32
        %cond3A_45 = arith.constant 0 : i32
        %cond3A_46 = arith.cmpi ne, %convert_element_type3A_44, %cond3A_45 : i32
        scf.if %cond3A_46 {
          %dma_wait3A_67 = arith.constant 0 : i32
          %dma_wait3A_68 = arith.constant 0 : i32
          %dma_wait3A_69 = tpu.memref_slice %arg4[%dma_wait3A_67, %dma_wait3A_68] : memref<819200x384xf32, #tpu.memory_space<hbm>> -> memref<128x384xf32, #tpu.memory_space<hbm>>
          %dma_wait3A_70 = arith.constant 0 : i32
          %dma_wait3A_71 = arith.constant 0 : i32
          %dma_wait3A_72 = tpu.memref_slice %arg4[%dma_wait3A_70, %dma_wait3A_71] : memref<819200x384xf32, #tpu.memory_space<hbm>> -> memref<128x384xf32, #tpu.memory_space<hbm>>
          tpu.wait_dma2 semaphore(%arg11 : memref<!tpu.dma_semaphore, #tpu.memory_space<semaphore_mem>>) src(%arg7 : memref<128x384xf32, #tpu.memory_space<vmem>>) dst(%dma_wait3A_72 : memref<128x384xf32, #tpu.memory_space<hbm>>)
        } else {
        }
        %dma_start3A_47 = arith.constant 0 : i32
        %dma_start3A_48 = tpu.memref_slice %arg5[%scan3A_32, %dma_start3A_47] : memref<200x128xi32, #tpu.memory_space<vmem>> -> memref<1x128xi32, #tpu.memory_space<vmem>>
        %dma_start3A_49 = tpu.memref_squeeze %dma_start3A_48 : memref<1x128xi32, #tpu.memory_space<vmem>> -> memref<128xi32, #tpu.memory_space<vmem>>
        %dma_start3A_50 = arith.constant 0 : i32
        %dma_start3A_51 = arith.constant 0 : i32
        %dma_start3A_52 = tpu.memref_slice %arg2[%dma_start3A_50, %dma_start3A_51] : memref<100000x384xf32, #tpu.memory_space<hbm>> -> memref<100000x384xf32, #tpu.memory_space<hbm>>
        tpu.enqueue_indirect_dma source(%dma_start3A_52 : memref<100000x384xf32, #tpu.memory_space<hbm>>) target(%arg7 : memref<128x384xf32, #tpu.memory_space<vmem>>) offsets(%dma_start3A_49 : memref<128xi32, #tpu.memory_space<vmem>>) semaphore(%arg9 : memref<!tpu.dma_semaphore, #tpu.memory_space<semaphore_mem>>)
        %dma_wait3A_53 = arith.constant 0 : i32
        %dma_wait3A_54 = arith.constant 0 : i32
        %dma_wait3A_55 = tpu.memref_slice %arg2[%dma_wait3A_53, %dma_wait3A_54] : memref<100000x384xf32, #tpu.memory_space<hbm>> -> memref<128x384xf32, #tpu.memory_space<hbm>>
        %dma_wait3A_56 = arith.constant 0 : i32
        %dma_wait3A_57 = arith.constant 0 : i32
        %dma_wait3A_58 = tpu.memref_slice %arg2[%dma_wait3A_56, %dma_wait3A_57] : memref<100000x384xf32, #tpu.memory_space<hbm>> -> memref<128x384xf32, #tpu.memory_space<hbm>>
        tpu.wait_dma2 semaphore(%arg8 : memref<!tpu.dma_semaphore, #tpu.memory_space<semaphore_mem>>) src(%dma_wait3A_58 : memref<128x384xf32, #tpu.memory_space<hbm>>) dst(%arg6 : memref<128x384xf32, #tpu.memory_space<vmem>>)
        %sub3A = arith.constant 1 : i32
        %sub3A_59 = arith.subi %scan3A_32, %sub3A : i32
        %mul3A_60 = arith.constant 128 : i32
        %mul3A_61 = arith.muli %sub3A_59, %mul3A_60 : i32
        %add3A_62 = arith.addi %mul3A_4, %mul3A_61 : i32
        %dma_start3A_63 = arith.constant 0 : i32
        %dma_start3A_64 = tpu.memref_slice %arg4[%add3A_62, %dma_start3A_63] : memref<819200x384xf32, #tpu.memory_space<hbm>> -> memref<128x384xf32, #tpu.memory_space<hbm>>
        %dma_start3A_65 = arith.constant 0 : i32
        %dma_start3A_66 = tpu.memref_slice %arg4[%add3A_62, %dma_start3A_65] : memref<819200x384xf32, #tpu.memory_space<hbm>> -> memref<128x384xf32, #tpu.memory_space<hbm>>
        tpu.enqueue_dma source(%arg6 : memref<128x384xf32, #tpu.memory_space<vmem>>) target(%dma_start3A_66 : memref<128x384xf32, #tpu.memory_space<hbm>>) target_semaphore(%arg10 : memref<!tpu.dma_semaphore, #tpu.memory_space<semaphore_mem>>)
      } else {
      }
    }
    %scan3A_9 = arith.constant 200 : i32
    %dma_wait3A = arith.constant 0 : i32
    %dma_wait3A_10 = arith.constant 0 : i32
    %dma_wait3A_11 = tpu.memref_slice %arg2[%dma_wait3A, %dma_wait3A_10] : memref<100000x384xf32, #tpu.memory_space<hbm>> -> memref<128x384xf32, #tpu.memory_space<hbm>>
    %dma_wait3A_12 = arith.constant 0 : i32
    %dma_wait3A_13 = arith.constant 0 : i32
    %dma_wait3A_14 = tpu.memref_slice %arg2[%dma_wait3A_12, %dma_wait3A_13] : memref<100000x384xf32, #tpu.memory_space<hbm>> -> memref<128x384xf32, #tpu.memory_space<hbm>>
    tpu.wait_dma2 semaphore(%arg9 : memref<!tpu.dma_semaphore, #tpu.memory_space<semaphore_mem>>) src(%dma_wait3A_14 : memref<128x384xf32, #tpu.memory_space<hbm>>) dst(%arg7 : memref<128x384xf32, #tpu.memory_space<vmem>>)
    %add3A_15 = arith.constant 25472 : i32
    %add3A_16 = arith.addi %mul3A_4, %add3A_15 : i32
    %dma_start3A = arith.constant 0 : i32
    %dma_start3A_17 = tpu.memref_slice %arg4[%add3A_16, %dma_start3A] : memref<819200x384xf32, #tpu.memory_space<hbm>> -> memref<128x384xf32, #tpu.memory_space<hbm>>
    %dma_start3A_18 = arith.constant 0 : i32
    %dma_start3A_19 = tpu.memref_slice %arg4[%add3A_16, %dma_start3A_18] : memref<819200x384xf32, #tpu.memory_space<hbm>> -> memref<128x384xf32, #tpu.memory_space<hbm>>
    tpu.enqueue_dma source(%arg7 : memref<128x384xf32, #tpu.memory_space<vmem>>) target(%dma_start3A_19 : memref<128x384xf32, #tpu.memory_space<hbm>>) target_semaphore(%arg11 : memref<!tpu.dma_semaphore, #tpu.memory_space<semaphore_mem>>)
    %dma_wait3A_20 = arith.constant 0 : i32
    %dma_wait3A_21 = arith.constant 0 : i32
    %dma_wait3A_22 = tpu.memref_slice %arg4[%dma_wait3A_20, %dma_wait3A_21] : memref<819200x384xf32, #tpu.memory_space<hbm>> -> memref<128x384xf32, #tpu.memory_space<hbm>>
    %dma_wait3A_23 = arith.constant 0 : i32
    %dma_wait3A_24 = arith.constant 0 : i32
    %dma_wait3A_25 = tpu.memref_slice %arg4[%dma_wait3A_23, %dma_wait3A_24] : memref<819200x384xf32, #tpu.memory_space<hbm>> -> memref<128x384xf32, #tpu.memory_space<hbm>>
    tpu.wait_dma2 semaphore(%arg10 : memref<!tpu.dma_semaphore, #tpu.memory_space<semaphore_mem>>) src(%arg6 : memref<128x384xf32, #tpu.memory_space<vmem>>) dst(%dma_wait3A_25 : memref<128x384xf32, #tpu.memory_space<hbm>>)
    %dma_wait3A_26 = arith.constant 0 : i32
    %dma_wait3A_27 = arith.constant 0 : i32
    %dma_wait3A_28 = tpu.memref_slice %arg4[%dma_wait3A_26, %dma_wait3A_27] : memref<819200x384xf32, #tpu.memory_space<hbm>> -> memref<128x384xf32, #tpu.memory_space<hbm>>
    %dma_wait3A_29 = arith.constant 0 : i32
    %dma_wait3A_30 = arith.constant 0 : i32
    %dma_wait3A_31 = tpu.memref_slice %arg4[%dma_wait3A_29, %dma_wait3A_30] : memref<819200x384xf32, #tpu.memory_space<hbm>> -> memref<128x384xf32, #tpu.memory_space<hbm>>
    tpu.wait_dma2 semaphore(%arg11 : memref<!tpu.dma_semaphore, #tpu.memory_space<semaphore_mem>>) src(%arg7 : memref<128x384xf32, #tpu.memory_space<vmem>>) dst(%dma_wait3A_31 : memref<128x384xf32, #tpu.memory_space<hbm>>)
    return
  }
}

</mosaic_0001>

<sc_bundles>
// kernel: kernel.3.cloned.1.call-start
scs
__scs_entry_jumppad:
0x0: {  	(pc) =	sbr.rel $0x88, $3  }
0x1: {  	(tag) =	ssettag $0x0;
	lr =	simm.s32 $0x1  }
0x2: {  	[smem:$0x3F9F] =	sst lr;
	_ =	strace $0xD0000000  }
0x3: {  	_ = 	snop  }
0x4: {  	_ = 	snop  }
0x5: {  	_ = 	snop  }
0x6: {  	_ = 	snop  }
0x7: {  	_ = 	snop  }
__scs_overlays_trampoline_lowered:
0x8: {  	[smem:$0x3FAE] =	sst s0  }
0x9: {  	[smem:$0x3FAF] =	sst s1  }
0xa: {  	[smem:$0x3FB0] =	sst s2  }
0xb: {  	[smem:$0x3FB1] =	sst s3  }
0xc: {  	[smem:$0x3FB2] =	sst s4  }
0xd: {  	[smem:$0x3FB3] =	sst s5  }
0xe: {  	[smem:$0x3FB4] =	sst s6  }
0xf: {  	[smem:$0x3FB5] =	sst s7  }
0x10: {  	[smem:$0x3FB6] =	sst s8  }
0x11: {  	[smem:$0x3FB7] =	sst s9;
	s0 =	simm.s32 @!p0 $0x0  }
0x12: {  	s1 =	sld [smem:$0x3F9D];
	s0 =	simm.s32 @p0 $0x1  }
0x13: {  	[smem:$0x3FB8] =	sst s0;
	s0 =	simm.s32 @!p1 $0x0  }
0x14: {  	s2 =	sld [smem:$0x3F9C];
	s0 =	simm.s32 @p1 $0x1  }
0x15: {  	[smem:$0x3FB9] =	sst s0;
	s0 =	simm.s32 @!p2 $0x0  }
0x16: {  	s3 =	sld [smem:$0x3FDB];
	s0 =	simm.s32 @p2 $0x1  }
0x17: {  	s4 =	simm.s32 $0x1BF5;
	[smem:$0x3FBB] =	sst s0  }
0x18: {  	s0 =	sld [smem:$0x3F9E];
	_ =	swait.ge [sflag:s4], $0x0  }
0x19: {  	s7 =	sld [smem:$0x3F9F]  }
0x1a: {  	s8 =	sadd.s32 $0xFFFFE003, lr  }
0x1b: {  	s9 =	sadd.s32 $0xFFFFFEF7, lr;
	s5 =	simm.s32 $0xFFFFFFFF;
	p2 =	slt.u32 s8, $0xFFFFF086  }
0x1c: {  	p1 =	slt.u32 s9, $0xF7A;
	s5 =	simm.s32 @!p2 $0x0  }
0x1d: {  	s5 =	simm.s32 @p1 $0x1;
	p0 =	seq.s32 s7, s2  }
0x1e: {  	s7 =	smul.u32 @!p0 $0xF7A, s2;
	p2 =	seq.s32 @!p0 s5, $0x0  }
0x1f: {  	s9 =	smul.u32 $0xF7A, s1;
	s8 =	simm.s32 @!p0 $0x1BF5;
	p2 =	por !p2, p0  }
0x20: {  	[sflag:s8] =	ssyncset.s32 @!p0 $0xFFFFF086;
	s6 =	sadd.s32 @!p0 s3, s7;
	s7 =	simm.s32 @!p0 $0x108  }
0x21: {  	s3 =	sadd.s32 s3, s9;
	s6 =	sadd.s32 @!p0 $0x88, s6;
	s7 =	simm.s32 @p2 $0x1082  }
0x22: {  	[simem:s7], [sflag:s8] =	dma.local @!p0 [hbm:s6], $0xF7A  }
0x23: {  	s9 =	sor.u32 $0xD0000000, s2;
	s6 =	simm.s32 $0x108;
	_ =	swait.ge @!p0 [sflag:s8], $0x0  }
0x24: {  	s3 =	sadd.s32 $0x88, s3;
	s6 =	simm.s32 @!p1 $0x1082;
	[sflag:s4] =	ssyncset.s32 $0xFFFFF086  }
0x25: {  	[simem:s6], [sflag:s4] =	dma.local [hbm:s3], $0xF7A  }
0x26: {  	[smem:$0x3F9F] =	sst s1;
	(tag) =	ssettag s2;
	_ =	strace s9  }
0x27: {  	s1 =	sld [smem:$0x3FAF]  }
0x28: {  	s2 =	sld [smem:$0x3FB0]  }
0x29: {  	s4 =	sld [smem:$0x3FB2]  }
0x2a: {  	p0 =	seq.s32 s5, $0x0;
	s5 =	sld [smem:$0x3FB3]  }
0x2b: {  	s6 =	sld [smem:$0x3FB4]  }
0x2c: {  	s7 =	sld [smem:$0x3FB5]  }
0x2d: {  	s3 =	simm.s32 $0x108;
	s8 =	sld [smem:$0x3FB6]  }
0x2e: {  	s3 =	simm.s32 @!p0 $0x1082;
	s9 =	sld [smem:$0x3FB7]  }
0x2f: {  	lr =	sadd.s32 s0, s3;
	s0 =	sld [smem:$0x3FAE]  }
0x30: {  	s3 =	sld [smem:$0x3FB1]  }
0x31: {  	[smem:$0x3FBA] =	sst s10  }
0x32: {  	s10 =	sld [smem:$0x3FB8];
	_ =	sdelay $0x3  }
0x33: {  	p0 =	seq.s32 s10, $0x1;
	s10 =	sld [smem:$0x3FBA];
	_ =	sdelay $0x3  }
0x34: {  	[smem:$0x3FBA] =	sst s10  }
0x35: {  	s10 =	sld [smem:$0x3FB9];
	_ =	sdelay $0x3  }
0x36: {  	p1 =	seq.s32 s10, $0x1;
	s10 =	sld [smem:$0x3FBA];
	_ =	sdelay $0x3  }
0x37: {  	[smem:$0x3FBA] =	sst s10  }
0x38: {  	s10 =	sld [smem:$0x3FBB]  }
0x39: {  	_ = 	snop;
	(pc) =	sbr.ind lr, $3  }
0x3a: {  	_ = 	snop  }
0x3b: {  	_ = 	snop  }
0x3c: {  	p2 =	seq.s32 s10, $0x1;
	s10 =	sld [smem:$0x3FBA]  }
0x3d: {  	_ =	shalt  }
0x3e: {  	_ =	shalt  }
0x3f: {  	_ =	shalt  }
0x40: {  	_ =	shalt  }
0x41: {  	_ =	shalt  }
0x42: {  	_ =	shalt  }
0x43: {  	_ =	shalt  }
0x44: {  	_ =	shalt  }
0x45: {  	_ =	shalt  }
0x46: {  	_ =	shalt  }
0x47: {  	_ =	shalt  }
0x48: {  	_ =	shalt  }
0x49: {  	_ =	shalt  }
0x4a: {  	_ =	shalt  }
0x4b: {  	_ =	shalt  }
0x4c: {  	_ =	shalt  }
0x4d: {  	_ =	shalt  }
0x4e: {  	_ =	shalt  }
0x4f: {  	_ =	shalt  }
0x50: {  	_ =	shalt  }
0x51: {  	_ =	shalt  }
0x52: {  	_ =	shalt  }
0x53: {  	_ =	shalt  }
0x54: {  	_ =	shalt  }
0x55: {  	_ =	shalt  }
0x56: {  	_ =	shalt  }
0x57: {  	_ =	shalt  }
0x58: {  	_ =	shalt  }
0x59: {  	_ =	shalt  }
0x5a: {  	_ =	shalt  }
0x5b: {  	_ =	shalt  }
0x5c: {  	_ =	shalt  }
0x5d: {  	_ =	shalt  }
0x5e: {  	_ =	shalt  }
0x5f: {  	_ =	shalt  }
0x60: {  	_ =	shalt  }
0x61: {  	_ =	shalt  }
0x62: {  	_ =	shalt  }
0x63: {  	_ =	shalt  }
0x64: {  	_ =	shalt  }
0x65: {  	_ =	shalt  }
0x66: {  	_ =	shalt  }
0x67: {  	_ =	shalt  }
0x68: {  	_ =	shalt  }
0x69: {  	_ =	shalt  }
0x6a: {  	_ =	shalt  }
0x6b: {  	_ =	shalt  }
0x6c: {  	_ =	shalt  }
0x6d: {  	_ =	shalt  }
0x6e: {  	_ =	shalt  }
0x6f: {  	_ =	shalt  }
0x70: {  	_ =	shalt  }
0x71: {  	_ =	shalt  }
0x72: {  	_ =	shalt  }
0x73: {  	_ =	shalt  }
0x74: {  	_ =	shalt  }
0x75: {  	_ =	shalt  }
0x76: {  	_ =	shalt  }
0x77: {  	_ =	shalt  }
0x78: {  	_ =	shalt  }
0x79: {  	_ =	shalt  }
0x7a: {  	_ =	shalt  }
0x7b: {  	_ =	shalt  }
0x7c: {  	_ =	shalt  }
0x7d: {  	_ =	shalt  }
0x7e: {  	_ =	shalt  }
0x7f: {  	_ =	shalt  }
0x80: {  	_ =	shalt  }
0x81: {  	_ =	shalt  }
0x82: {  	_ =	shalt  }
0x83: {  	_ =	shalt  }
0x84: {  	_ =	shalt  }
0x85: {  	_ =	shalt  }
0x86: {  	_ =	shalt  }
0x87: {  	_ =	shalt  }
.Lfunc_end0:
.L_simem_size_0:
called_computation.1_lowered:
.L_overlay_start_0:
0x88: {  	s2 =	sld [smem:$0x3FD9]  }
0x89: {  	s3 =	sld [smem:$0x3FFE];
	_ =	sdelay $0x1  }
0x8a: {  	s1 =	srdreg.scid  }
0x8b: {  	s0 =	sand.u32 $0x1, s1  }
0x8c: {  	s16 =	sshll.u32 s0, $0xA;
	s2 =	sadd.s32 s3, s2  }
0x8d: {  	s2 =	sadd.s32 s2, s16  }
0x8e: {  	[smem:$0x3FC6] =	sst s2  }
0x8f: {  	_ = 	snop  }
0x90: {  	(tm) =	ssettm $0x1  }
0x91: {  	s17 =	sld [smem:$0x3FFB];
	_ =	sdelay $0x3  }
0x92: {  	_ =	strace s17  }
0x93: {  	s2 =	sld [smem:$0x3FFC];
	_ =	sdelay $0x3  }
0x94: {  	_ =	strace s2  }
0x95: {  	s2 =	sld [smem:$0x3FFD];
	_ =	sdelay $0x3  }
0x96: {  	_ =	strace s2  }
0x97: {  	_ =	strace $0x8FFFFFFF  }
0x98: {  	s18 =	sld [smem:$0x3FDB];
	_ =	sdelay $0x1  }
0x99: {  	s19 =	simm.s32 $_scs_section_size  }
0x9a: {  	s4 =	simm.s32 $_size__tile_overlayer_lowered;
	s5 =	simm.s32 $_tile_overlayer_lowered  }
0x9b: {  	s22 =	simm.s32 $0x1BFF;
	s21 =	sshll.u32 s5, $0x1;
	s2 =	sadd.s32 s19, s18  }
0x9c: {  	s6 =	simm.s32 $0x0;
	s20 =	sshll.u32 s4, $0x1;
	s4 =	sadd.s32 s21, s2  }
0x9d: {  	[timem:s6], [sflag:s22] =	dma.local [hbm:s4], s20  }
0x9e: {  	_ =	swait.ge [sflag:s22], s20  }
0x9f: {  	s3 =	ssub.s32 $0x0, s20;
	[sflag:s22] =	ssyncset.done $0x0  }
0xa0: {  	[sflag:s22] =	ssyncadd.s32 s3;
	_ =	sdelay $0x1  }
0xa1: {  	s23 =	simm.s32 $0x1B8B  }
0xa2: {  	_ =	swait.ge [sflag:s23], $0x1  }
0xa3: {  	[sflag:s23] =	ssyncset.done $0x0  }
0xa4: {  	s25 =	simm.s32 $0x1B8E;
	s24 =	sld [smem:$0x3FFE];
	[sflag:s23] =	ssyncadd.s32 $0xFFFFFFFF  }
0xa5: {  	s26 =	simm.s32 $execute0_lowered;
	[smem:$0x3FD2] =	sst s25  }
0xa6: {  	s4 =	sshll.u32 s26, $0x1;
	_ =	strace $0x80000046;
	[dreg:$0x1] =	wrdreg $0xFFFFFFFF  }
0xa7: {  	s28 =	simm.s32 $_size_execute0_lowered;
	s2 =	sadd.s32 s2, s4;
	[dreg:$0x0] =	wrdreg $0x0  }
0xa8: {  	s4 =	sshll.u32 s28, $0x1;
	[dreg:$0x2] =	wrdreg s2  }
0xa9: {  	[dreg:$0x3] =	wrdreg s4  }
0xaa: {  	[dreg:$0x4] =	wrdreg $0xC0  }
0xab: {  	_ =	task [dreg:s6], $0x5FFFF  }
0xac: {  	[dreg:$0x1] =	wrdreg $0xFFFFFFFF  }
0xad: {  	[dreg:$0x0] =	wrdreg $0x60  }
0xae: {  	[dreg:$0x2] =	wrdreg s24  }
0xaf: {  	[dreg:$0x3] =	wrdreg $0x9  }
0xb0: {  	_ =	task.clear_ibuf [dreg:s6], $0x4FFFF;
	_ =	strace $0x90000046  }
0xb1: {  	s29 =	simm.s32 $0x9;
	_ =	strace $0x80000048  }
0xb2: {  	_ =	swait.ge [sflag:s29], $0x1  }
0xb3: {  	[sflag:s29] =	ssyncadd.s32 $0xFFFFFFFF  }
0xb4: {  	_ =	strace $0x90000048  }
0xb5: {  	_ =	sfence  }
0xb6: {  	s30 =	sld [smem:$0x0];
	_ =	sdelay $0x2  }
0xb7: {  	s31 =	sshll.u32 s1, $0xD;
	s1 =	sshrl.u32 s1, $0x2  }
0xb8: {  	s3 =	sand.u32 $0x4000, s31;
	s1 =	sadd.s32 s1, s30  }
0xb9: {  	s0 =	sor.u32 s3, s0;
	s1 =	sshll.u32 s1, $0x11  }
0xba: {  	s0 =	sor.u32 s1, s0  }
0xbb: {  	s0 =	sadd.s32 $0x8F2B, s0  }
0xbc: {  	[sflag:s0] =	ssyncadd.remote.s32 $0x1  }
0xbd: {  	_ =	sfence.sel $0xFFFF  }
0xbe: {  	[dreg:$0x0] =	wrdreg $0xFFFFFFFF;
	(pc) =	sbr.abs _section_cstart, $3  }
0xbf: {  	[dreg:$0x1] =	wrdreg $0xFFFFFFFF  }
0xc0: {  	_ =	task.clear_ibuf [dreg:s6], $0x2FFFF;
	_ =	strace $0x9FFFFFFF  }
0xc1: {  	(tm) =	ssettm $0x7FFFFFFF  }
tec
execute0_lowered:
.L_overlay_start_1:
0x0: {  	(tag) =	ssettag $0x1  }
0x1: {  	s0 =	srdreg.scid  }
0x2: {  	s8 =	stileid.u32;
	s5 =	rddreg [dreg:$0x0];
	s2 =	simm.s32 $0x0  }
0x3: {  	s17 =	simm.s32 $0x1;
	s18 =	simm.s32 $0x6400;
	s11 =	simm.s32 $0xC000  }
0x4: {  	s10 =	simm.s32 $0xDC00;
	s12 =	simm.s32 $0xE400;
	s13 =	simm.s32 $0xE800  }
0x5: {  	s14 =	simm.s32 $0xF000;
	s15 =	simm.s32 $0xF400;
	s16 =	simm.s32 $0xFC00  }
0x6: {  	s19 =	simm.s32 $0x10000;
	s20 =	simm.s32 $0x10800;
	s21 =	simm.s32 $0x10C00  }
0x7: {  	s22 =	simm.s32 $0x11400;
	s23 =	simm.s32 $0x11800;
	s24 =	simm.s32 $0x12000  }
0x8: {  	s0 =	sand.u32 $0x1, s0;
	s1 =	sshll.u32 s8, $0x1;
	s8 =	smul.u32 $0xC800, s8  }
0x9: {  	s1 =	sor.u32 s0, s1;
	s7 =	ssub.s32 $0x2, s0;
	s0 =	smul.u32 $0x6400, s0  }
0xa: {  	s28 =	simm.s32 $0x0;
	[smem:$0x7FF] =	sst s2;
	s3 =	smul.u32 $0x6400, s1  }
0xb: {  	_ =	strace $0x80000047;
	s1 =	smul.u32 $0xC80, s1;
	s9 =	sshrl.u32 s7, $0x1  }
0xc: {  	s7 =	ssub.s32 s7, s9;
	s0 =	sadd.s32 s0, s8;
	s8 =	simm.s32 $0xD000  }
0xd: {  	s9 =	simm.s32 $0xD800;
	s4 =	sshrl.u32 s3, $0x3;
	s3 =	sadd.s32 $0x19800, s5  }
0xe: {  	s1 =	sadd.s32 s1, s5;
	s31 =	smax.u32 s7, $0x1;
	s6 =	smul.u32 $0x180, s4  }
.Ltmp0:
0xf: {  	s0 =	sadd.s32 $0xFFFFFF80, s0;
	s7 =	simm.s32 $0xCC00;
	(pc) =	sbr.rel .LBB2_1-.Ltmp0, $4  }
0x10: {  	s4 =	sadd.s32 $0x4AD600, s5;
	s1 =	sadd.s32 $0x800, s1;
	[dreg:$0x4] =	wrdreg s31  }
0x11: {  	v2 =	vlaneseq.u32;
	[dreg:$0x5] =	wrdreg s0;
	s0 =	simm.s32 $0xB800;
	s30 =	sadd.s32 s4, s6  }
0x12: {  	vm0 =	vmmov $0xffff;
	vm1 =	vmmov $0xff;
	v1 =	vshrl.u32 v2, $0x3;
	[dreg:$0x2] =	wrdreg s1;
	s6 =	sadd.s32 $0x19900, s5;
	s1 =	sadd.s32 $0x12A800, s30  }
0x13: {  	v0 =	vand.u32 $0x7, v2;
	v2 =	vor.u32 $0x8, v2;
	v1 =	vmul.u32 $0x8, v1;
	s5 =	simm.s32 $0xC400;
	[dreg:$0x3] =	wrdreg s1;
	s1 =	simm.s32 $0xB400  }
.LBB2_6:
0x14: {  	s25 =	simm.s32 $0x2  }
0x15: {  	_ =	swait.ge [sflag:s25], $0xC000  }
0x16: {  	s26 =	simm.s32 $0x12400;
	[sflag:s25] =	ssyncset.done $0x0  }
0x17: {  	s29 =	simm.s32 $0x3;
	s31 =	rddreg [dreg:$0x3];
	[sflag:s25] =	ssyncadd.s32 $0xFFFF4000  }
0x18: {  	[hbm4b:s31+s2] =	stream.linear.scatter [tilespmem:s26], [sflag:$0x4], $0xC000, $0x38;
	[tilespmem:$0x1E400] =	vst v63  }
0x19: {  	_ =	swait.ge [sflag:s29], $0xC000  }
0x1a: {  	[sflag:s29] =	ssyncset.done $0x0  }
0x1b: {  	s30 =	simm.s32 $0x4;
	[sflag:s29] =	ssyncadd.s32 $0xFFFF4000  }
0x1c: {  	_ =	swait.ge [sflag:s30], $0xC000  }
0x1d: {  	s28 =	rddreg [dreg:$0x6]  }
0x1e: {  	s31 =	rddreg [dreg:$0x4];
	s28 =	sadd.s32 $0x1, s28  }
0x1f: {  	p0 =	sne.s32 s28, s31  }
.Ltmp1:
0x20: {  	_ = 	snop;
	(pc) =	sbr.rel @!p0 .LBB2_7-.Ltmp1, $3  }
0x21: {  	_ =	sdelay $0x1  }
0x22: {  	[sflag:s30] =	ssyncset.done $0x0  }
0x23: {  	[sflag:s30] =	ssyncadd.s32 $0xFFFF4000  }
.LBB2_1:
0x24: {  	[dreg:$0x6] =	wrdreg s28  }
.Ltmp2:
0x25: {  	s25 =	rddreg [dreg:$0x2];
	s31 =	simm.s32 $0x5;
	(pc) =	sbr.rel .LBB2_2-.Ltmp2, $4  }
0x26: {  	[tilespmem:s2], [sflag:$0x5] =	stream.linear.gather [hbm4b:s25+s2], $0x6400, $0x38;
	[tilespmem:$0x1E400] =	vst v63  }
0x27: {  	_ =	swait.ge [sflag:s31], $0x6400  }
0x28: {  	s28 =	simm.s32 $0x0;
	[sflag:s31] =	ssyncset.done $0x0  }
0x29: {  	s25 =	simm.s32 $0x40;
	s26 =	rddreg [dreg:$0x5];
	[sflag:s31] =	ssyncadd.s32 $0xFFFF9C00  }
.LBB2_4:
0x2a: {  	s29 =	simm.s32 @!p0 $0x4  }
0x2b: {  	_ =	swait.ge @!p0 [sflag:s29], $0xC000  }
0x2c: {  	[sflag:s29] =	ssyncset.done @!p0 $0x0  }
0x2d: {  	[sflag:s29] =	ssyncadd.s32 @!p0 $0xFFFF4000  }
0x2e: {  	v3 =	vld [tilespmem:s25+$0xFFFFFFC0];
	_ =	sdelay $0x4  }
0x2f: {  	v4 =	vshrl.u32 v3, $0x3  }
0x30: {  	v4 =	vmul.u32 $0x18, v4  }
0x31: {  	v3 =	vand.u32 $0x7, v3  }
0x32: {  	v3 =	vor.u32 v3, v4  }
0x33: {  	v4 =	vperm.xlane v3, v0;
	_ =	sdelay $0x1  }
0x34: {  	v4 =	vadd.s32 v1, v4;
	_ =	sdelay $0x1  }
0x35: {  	v3 =	vperm.xlane v3, v2;
	_ =	sdelay $0x1  }
0x36: {  	s31 =	simm.s32 $0x12400;
	v3 =	vadd.s32 v1, v3  }
0x37: {  	[tilespmem:s31], [sflag:$0x2] =	stream.indirect_vreg.gather [hbm4b:s3+s2], $0x80, v4, vm0, $0xb8;
	[tilespmem:$0x1E400] =	vst v63  }
0x38: {  	s30 =	simm.s32 $0x12C00  }
0x39: {  	[tilespmem:s30], [sflag:$0x2] =	stream.indirect_vreg.gather [hbm4b:s6+s2], $0x80, v4, vm1, $0xb8;
	[tilespmem:$0x1E400] =	vst v63  }
0x3a: {  	s31 =	simm.s32 $0x13000  }
0x3b: {  	[tilespmem:s31], [sflag:$0x2] =	stream.indirect_vreg.gather [hbm4b:s3+s2], $0x80, v3, vm0, $0xb8;
	[tilespmem:$0x1E400] =	vst v63  }
0x3c: {  	s30 =	simm.s32 $0x13800  }
0x3d: {  	[tilespmem:s30], [sflag:$0x2] =	stream.indirect_vreg.gather [hbm4b:s6+s2], $0x80, v3, vm1, $0xb8;
	[tilespmem:$0x1E400] =	vst v63  }
0x3e: {  	v3 =	vld [tilespmem:s25+$0xFFFFFFD0];
	_ =	sdelay $0x4  }
0x3f: {  	v57 =	vshrl.u32 v3, $0x3  }
0x40: {  	v4 =	vmul.u32 $0x18, v57  }
0x41: {  	v3 =	vand.u32 $0x7, v3  }
0x42: {  	v3 =	vor.u32 v3, v4  }
0x43: {  	v4 =	vperm.xlane v3, v0;
	_ =	sdelay $0x1  }
0x44: {  	v4 =	vadd.s32 v1, v4;
	_ =	sdelay $0x1  }
0x45: {  	v3 =	vperm.xlane v3, v2;
	_ =	sdelay $0x1  }
0x46: {  	s31 =	simm.s32 $0x13C00;
	v3 =	vadd.s32 v1, v3  }
0x47: {  	[tilespmem:s31], [sflag:$0x2] =	stream.indirect_vreg.gather [hbm4b:s3+s2], $0x80, v4, vm0, $0xb8;
	[tilespmem:$0x1E400] =	vst v63  }
0x48: {  	s30 =	simm.s32 $0x14400  }
0x49: {  	[tilespmem:s30], [sflag:$0x2] =	stream.indirect_vreg.gather [hbm4b:s6+s2], $0x80, v4, vm1, $0xb8;
	[tilespmem:$0x1E400] =	vst v63  }
0x4a: {  	s31 =	simm.s32 $0x14800  }
0x4b: {  	[tilespmem:s31], [sflag:$0x2] =	stream.indirect_vreg.gather [hbm4b:s3+s2], $0x80, v3, vm0, $0xb8;
	[tilespmem:$0x1E400] =	vst v63  }
0x4c: {  	s30 =	simm.s32 $0x15000  }
0x4d: {  	[tilespmem:s30], [sflag:$0x2] =	stream.indirect_vreg.gather [hbm4b:s6+s2], $0x80, v3, vm1, $0xb8;
	[tilespmem:$0x1E400] =	vst v63  }
0x4e: {  	v3 =	vld [tilespmem:s25+$0xFFFFFFE0];
	_ =	sdelay $0x4  }
0x4f: {  	v58 =	vshrl.u32 v3, $0x3  }
0x50: {  	v4 =	vmul.u32 $0x18, v58  }
0x51: {  	v3 =	vand.u32 $0x7, v3  }
0x52: {  	v3 =	vor.u32 v3, v4  }
0x53: {  	v4 =	vperm.xlane v3, v0;
	_ =	sdelay $0x1  }
0x54: {  	v4 =	vadd.s32 v1, v4;
	_ =	sdelay $0x1  }
0x55: {  	v3 =	vperm.xlane v3, v2;
	_ =	sdelay $0x1  }
0x56: {  	s31 =	simm.s32 $0x15400;
	v3 =	vadd.s32 v1, v3  }
0x57: {  	[tilespmem:s31], [sflag:$0x2] =	stream.indirect_vreg.gather [hbm4b:s3+s2], $0x80, v4, vm0, $0xb8;
	[tilespmem:$0x1E400] =	vst v63  }
0x58: {  	s30 =	simm.s32 $0x15C00  }
0x59: {  	[tilespmem:s30], [sflag:$0x2] =	stream.indirect_vreg.gather [hbm4b:s6+s2], $0x80, v4, vm1, $0xb8;
	[tilespmem:$0x1E400] =	vst v63  }
0x5a: {  	s31 =	simm.s32 $0x16000  }
0x5b: {  	[tilespmem:s31], [sflag:$0x2] =	stream.indirect_vreg.gather [hbm4b:s3+s2], $0x80, v3, vm0, $0xb8;
	[tilespmem:$0x1E400] =	vst v63  }
0x5c: {  	s30 =	simm.s32 $0x16800  }
0x5d: {  	[tilespmem:s30], [sflag:$0x2] =	stream.indirect_vreg.gather [hbm4b:s6+s2], $0x80, v3, vm1, $0xb8;
	[tilespmem:$0x1E400] =	vst v63  }
0x5e: {  	v3 =	vld [tilespmem:s25+$0xFFFFFFF0];
	_ =	sdelay $0x4  }
0x5f: {  	v59 =	vshrl.u32 v3, $0x3  }
0x60: {  	v4 =	vmul.u32 $0x18, v59  }
0x61: {  	v3 =	vand.u32 $0x7, v3  }
0x62: {  	v3 =	vor.u32 v3, v4  }
0x63: {  	v4 =	vperm.xlane v3, v0;
	_ =	sdelay $0x1  }
0x64: {  	v4 =	vadd.s32 v1, v4;
	_ =	sdelay $0x1  }
0x65: {  	v3 =	vperm.xlane v3, v2;
	_ =	sdelay $0x1  }
0x66: {  	s31 =	simm.s32 $0x16C00;
	v3 =	vadd.s32 v1, v3  }
0x67: {  	[tilespmem:s31], [sflag:$0x2] =	stream.indirect_vreg.gather [hbm4b:s3+s2], $0x80, v4, vm0, $0xb8;
	[tilespmem:$0x1E400] =	vst v63  }
0x68: {  	s30 =	simm.s32 $0x17400  }
0x69: {  	[tilespmem:s30], [sflag:$0x2] =	stream.indirect_vreg.gather [hbm4b:s6+s2], $0x80, v4, vm1, $0xb8;
	[tilespmem:$0x1E400] =	vst v63  }
0x6a: {  	s31 =	simm.s32 $0x17800  }
0x6b: {  	[tilespmem:s31], [sflag:$0x2] =	stream.indirect_vreg.gather [hbm4b:s3+s2], $0x80, v3, vm0, $0xb8;
	[tilespmem:$0x1E400] =	vst v63  }
0x6c: {  	s30 =	simm.s32 $0x18000  }
0x6d: {  	[tilespmem:s30], [sflag:$0x2] =	stream.indirect_vreg.gather [hbm4b:s6+s2], $0x80, v3, vm1, $0xb8;
	[tilespmem:$0x1E400] =	vst v63  }
0x6e: {  	v3 =	vld [tilespmem:s25+$0x0];
	_ =	sdelay $0x4  }
0x6f: {  	v60 =	vshrl.u32 v3, $0x3  }
0x70: {  	v4 =	vmul.u32 $0x18, v60  }
0x71: {  	v3 =	vand.u32 $0x7, v3  }
0x72: {  	v3 =	vor.u32 v3, v4  }
0x73: {  	v4 =	vperm.xlane v3, v0;
	_ =	sdelay $0x1  }
0x74: {  	v4 =	vadd.s32 v1, v4;
	_ =	sdelay $0x1  }
0x75: {  	v3 =	vperm.xlane v3, v2;
	_ =	sdelay $0x1  }
0x76: {  	s31 =	simm.s32 $0x18400;
	v3 =	vadd.s32 v1, v3  }
0x77: {  	[tilespmem:s31], [sflag:$0x2] =	stream.indirect_vreg.gather [hbm4b:s3+s2], $0x80, v4, vm0, $0xb8;
	[tilespmem:$0x1E400] =	vst v63  }
0x78: {  	s30 =	simm.s32 $0x18C00  }
0x79: {  	[tilespmem:s30], [sflag:$0x2] =	stream.indirect_vreg.gather [hbm4b:s6+s2], $0x80, v4, vm1, $0xb8;
	[tilespmem:$0x1E400] =	vst v63  }
0x7a: {  	s31 =	simm.s32 $0x19000  }
0x7b: {  	[tilespmem:s31], [sflag:$0x2] =	stream.indirect_vreg.gather [hbm4b:s3+s2], $0x80, v3, vm0, $0xb8;
	[tilespmem:$0x1E400] =	vst v63  }
0x7c: {  	s30 =	simm.s32 $0x19800  }
0x7d: {  	[tilespmem:s30], [sflag:$0x2] =	stream.indirect_vreg.gather [hbm4b:s6+s2], $0x80, v3, vm1, $0xb8;
	[tilespmem:$0x1E400] =	vst v63  }
0x7e: {  	v3 =	vld [tilespmem:s25+$0x10];
	_ =	sdelay $0x4  }
0x7f: {  	v61 =	vshrl.u32 v3, $0x3  }
0x80: {  	v4 =	vmul.u32 $0x18, v61  }
0x81: {  	v3 =	vand.u32 $0x7, v3  }
0x82: {  	v3 =	vor.u32 v3, v4  }
0x83: {  	v4 =	vperm.xlane v3, v0;
	_ =	sdelay $0x1  }
0x84: {  	v4 =	vadd.s32 v1, v4;
	_ =	sdelay $0x1  }
0x85: {  	v3 =	vperm.xlane v3, v2;
	_ =	sdelay $0x1  }
0x86: {  	s31 =	simm.s32 $0x19C00;
	v3 =	vadd.s32 v1, v3  }
0x87: {  	[tilespmem:s31], [sflag:$0x2] =	stream.indirect_vreg.gather [hbm4b:s3+s2], $0x80, v4, vm0, $0xb8;
	[tilespmem:$0x1E400] =	vst v63  }
0x88: {  	s30 =	simm.s32 $0x1A400  }
0x89: {  	[tilespmem:s30], [sflag:$0x2] =	stream.indirect_vreg.gather [hbm4b:s6+s2], $0x80, v4, vm1, $0xb8;
	[tilespmem:$0x1E400] =	vst v63  }
0x8a: {  	s31 =	simm.s32 $0x1A800  }
0x8b: {  	[tilespmem:s31], [sflag:$0x2] =	stream.indirect_vreg.gather [hbm4b:s3+s2], $0x80, v3, vm0, $0xb8;
	[tilespmem:$0x1E400] =	vst v63  }
0x8c: {  	s30 =	simm.s32 $0x1B000  }
0x8d: {  	[tilespmem:s30], [sflag:$0x2] =	stream.indirect_vreg.gather [hbm4b:s6+s2], $0x80, v3, vm1, $0xb8;
	[tilespmem:$0x1E400] =	vst v63  }
0x8e: {  	v3 =	vld [tilespmem:s25+$0x20];
	_ =	sdelay $0x4  }
0x8f: {  	v62 =	vshrl.u32 v3, $0x3  }
0x90: {  	v4 =	vmul.u32 $0x18, v62  }
0x91: {  	v3 =	vand.u32 $0x7, v3  }
0x92: {  	v3 =	vor.u32 v3, v4  }
0x93: {  	v4 =	vperm.xlane v3, v0;
	_ =	sdelay $0x1  }
0x94: {  	v4 =	vadd.s32 v1, v4;
	_ =	sdelay $0x1  }
0x95: {  	v3 =	vperm.xlane v3, v2;
	_ =	sdelay $0x1  }
0x96: {  	s31 =	simm.s32 $0x1B400;
	v3 =	vadd.s32 v1, v3  }
0x97: {  	[tilespmem:s31], [sflag:$0x2] =	stream.indirect_vreg.gather [hbm4b:s3+s2], $0x80, v4, vm0, $0xb8;
	[tilespmem:$0x1E400] =	vst v63  }
0x98: {  	s30 =	simm.s32 $0x1BC00  }
0x99: {  	[tilespmem:s30], [sflag:$0x2] =	stream.indirect_vreg.gather [hbm4b:s6+s2], $0x80, v4, vm1, $0xb8;
	[tilespmem:$0x1E400] =	vst v63  }
0x9a: {  	s31 =	simm.s32 $0x1C000  }
0x9b: {  	[tilespmem:s31], [sflag:$0x2] =	stream.indirect_vreg.gather [hbm4b:s3+s2], $0x80, v3, vm0, $0xb8;
	[tilespmem:$0x1E400] =	vst v63  }
0x9c: {  	s30 =	simm.s32 $0x1C800  }
0x9d: {  	[tilespmem:s30], [sflag:$0x2] =	stream.indirect_vreg.gather [hbm4b:s6+s2], $0x80, v3, vm1, $0xb8;
	[tilespmem:$0x1E400] =	vst v63  }
0x9e: {  	v3 =	vld [tilespmem:s25+$0x30];
	_ =	sdelay $0x4  }
0x9f: {  	v63 =	vshrl.u32 v3, $0x3  }
0xa0: {  	v4 =	vmul.u32 $0x18, v63  }
0xa1: {  	v3 =	vand.u32 $0x7, v3  }
0xa2: {  	v3 =	vor.u32 v3, v4  }
0xa3: {  	v4 =	vperm.xlane v3, v0;
	_ =	sdelay $0x1  }
0xa4: {  	v4 =	vadd.s32 v1, v4;
	_ =	sdelay $0x1  }
0xa5: {  	v3 =	vperm.xlane v3, v2;
	_ =	sdelay $0x1  }
0xa6: {  	s31 =	simm.s32 $0x1CC00;
	v3 =	vadd.s32 v1, v3  }
0xa7: {  	[tilespmem:s31], [sflag:$0x2] =	stream.indirect_vreg.gather [hbm4b:s3+s2], $0x80, v4, vm0, $0xb8;
	[tilespmem:$0x1E400] =	vst v63  }
0xa8: {  	s30 =	simm.s32 $0x1D400  }
0xa9: {  	[tilespmem:s30], [sflag:$0x2] =	stream.indirect_vreg.gather [hbm4b:s6+s2], $0x80, v4, vm1, $0xb8;
	[tilespmem:$0x1E400] =	vst v63  }
0xaa: {  	s31 =	simm.s32 $0x1D800  }
0xab: {  	[tilespmem:s31], [sflag:$0x2] =	stream.indirect_vreg.gather [hbm4b:s3+s2], $0x80, v3, vm0, $0xb8;
	[tilespmem:$0x1E400] =	vst v63  }
0xac: {  	s30 =	simm.s32 $0x1E000;
	s31 =	sshrl.u32 s26, $0x3  }
0xad: {  	[tilespmem:s30], [sflag:$0x2] =	stream.indirect_vreg.gather [hbm4b:s6+s2], $0x80, v3, vm1, $0xb8;
	[tilespmem:$0x1E400] =	vst v63  }
0xae: {  	s29 =	smul.u32 $0x180, s31;
	_ =	swait.ge [sflag:s17], $0xC000  }
0xaf: {  	[sflag:s17] =	ssyncset.done $0x0  }
0xb0: {  	s29 =	sadd.s32 s4, s29;
	[sflag:s17] =	ssyncadd.s32 $0xFFFF4000  }
0xb1: {  	[hbm4b:s29+s2] =	stream.linear.scatter [tilespmem:s18], [sflag:$0x3], $0xC000, $0x38;
	[tilespmem:$0x1E400] =	vst v63  }
.LBB2_5:
0xb2: {  	s28 =	sadd.s32 $0x1, s28  }
0xb3: {  	p0 =	sne.s32 s28, $0xC8  }
.Ltmp3:
0xb4: {  	_ = 	snop;
	(pc) =	sbr.rel @!p0 .LBB2_6-.Ltmp3, $2  }
0xb5: {  	_ =	sdelay $0x2  }
0xb6: {  	s26 =	sadd.s32 $0x80, s26;
	s25 =	sadd.s32 $0x80, s25  }
.LBB2_2:
0xb7: {  	s29 =	sand.u32 $0x1, s28  }
0xb8: {  	p1 =	seq.s32 s29, $0x1  }
.Ltmp4:
0xb9: {  	_ = 	snop;
	(pc) =	sbr.rel @p1 .LBB2_4-.Ltmp4, $2  }
0xba: {  	_ =	sdelay $0x2  }
0xbb: {  	p0 =	slt.u32 s28, $0x2  }
0xbc: {  	s29 =	simm.s32 @!p0 $0x3  }
0xbd: {  	_ =	swait.ge @!p0 [sflag:s29], $0xC000  }
0xbe: {  	[sflag:s29] =	ssyncset.done @!p0 $0x0  }
0xbf: {  	[sflag:s29] =	ssyncadd.s32 @!p0 $0xFFFF4000  }
0xc0: {  	v3 =	vld [tilespmem:s25+$0xFFFFFFC0];
	_ =	sdelay $0x4  }
0xc1: {  	v4 =	vshrl.u32 v3, $0x3  }
0xc2: {  	v4 =	vmul.u32 $0x18, v4  }
0xc3: {  	v3 =	vand.u32 $0x7, v3  }
0xc4: {  	v3 =	vor.u32 v3, v4  }
0xc5: {  	v4 =	vperm.xlane v3, v0;
	_ =	sdelay $0x1  }
0xc6: {  	v4 =	vadd.s32 v1, v4;
	_ =	sdelay $0x1  }
0xc7: {  	v3 =	vperm.xlane v3, v2;
	_ =	sdelay $0x1  }
0xc8: {  	v3 =	vadd.s32 v1, v3  }
0xc9: {  	[tilespmem:s18], [sflag:$0x1] =	stream.indirect_vreg.gather [hbm4b:s3+s2], $0x80, v4, vm0, $0xb8;
	[tilespmem:$0x1E400] =	vst v63  }
0xca: {  	s30 =	simm.s32 $0x6C00  }
0xcb: {  	[tilespmem:s30], [sflag:$0x1] =	stream.indirect_vreg.gather [hbm4b:s6+s2], $0x80, v4, vm1, $0xb8;
	[tilespmem:$0x1E400] =	vst v63  }
0xcc: {  	s31 =	simm.s32 $0x7000  }
0xcd: {  	[tilespmem:s31], [sflag:$0x1] =	stream.indirect_vreg.gather [hbm4b:s3+s2], $0x80, v3, vm0, $0xb8;
	[tilespmem:$0x1E400] =	vst v63  }
0xce: {  	s30 =	simm.s32 $0x7800  }
0xcf: {  	[tilespmem:s30], [sflag:$0x1] =	stream.indirect_vreg.gather [hbm4b:s6+s2], $0x80, v3, vm1, $0xb8;
	[tilespmem:$0x1E400] =	vst v63  }
0xd0: {  	v3 =	vld [tilespmem:s25+$0xFFFFFFD0];
	_ =	sdelay $0x4  }
0xd1: {  	v57 =	vshrl.u32 v3, $0x3  }
0xd2: {  	v4 =	vmul.u32 $0x18, v57  }
0xd3: {  	v3 =	vand.u32 $0x7, v3  }
0xd4: {  	v3 =	vor.u32 v3, v4  }
0xd5: {  	v4 =	vperm.xlane v3, v0;
	_ =	sdelay $0x1  }
0xd6: {  	v4 =	vadd.s32 v1, v4;
	_ =	sdelay $0x1  }
0xd7: {  	v3 =	vperm.xlane v3, v2;
	_ =	sdelay $0x1  }
0xd8: {  	s31 =	simm.s32 $0x7C00;
	v3 =	vadd.s32 v1, v3  }
0xd9: {  	[tilespmem:s31], [sflag:$0x1] =	stream.indirect_vreg.gather [hbm4b:s3+s2], $0x80, v4, vm0, $0xb8;
	[tilespmem:$0x1E400] =	vst v63  }
0xda: {  	s30 =	simm.s32 $0x8400  }
0xdb: {  	[tilespmem:s30], [sflag:$0x1] =	stream.indirect_vreg.gather [hbm4b:s6+s2], $0x80, v4, vm1, $0xb8;
	[tilespmem:$0x1E400] =	vst v63  }
0xdc: {  	s31 =	simm.s32 $0x8800  }
0xdd: {  	[tilespmem:s31], [sflag:$0x1] =	stream.indirect_vreg.gather [hbm4b:s3+s2], $0x80, v3, vm0, $0xb8;
	[tilespmem:$0x1E400] =	vst v63  }
0xde: {  	s30 =	simm.s32 $0x9000  }
0xdf: {  	[tilespmem:s30], [sflag:$0x1] =	stream.indirect_vreg.gather [hbm4b:s6+s2], $0x80, v3, vm1, $0xb8;
	[tilespmem:$0x1E400] =	vst v63  }
0xe0: {  	v3 =	vld [tilespmem:s25+$0xFFFFFFE0];
	_ =	sdelay $0x4  }
0xe1: {  	v58 =	vshrl.u32 v3, $0x3  }
0xe2: {  	v4 =	vmul.u32 $0x18, v58  }
0xe3: {  	v3 =	vand.u32 $0x7, v3  }
0xe4: {  	v3 =	vor.u32 v3, v4  }
0xe5: {  	v4 =	vperm.xlane v3, v0;
	_ =	sdelay $0x1  }
0xe6: {  	v4 =	vadd.s32 v1, v4;
	_ =	sdelay $0x1  }
0xe7: {  	v3 =	vperm.xlane v3, v2;
	_ =	sdelay $0x1  }
0xe8: {  	s31 =	simm.s32 $0x9400;
	v3 =	vadd.s32 v1, v3  }
0xe9: {  	[tilespmem:s31], [sflag:$0x1] =	stream.indirect_vreg.gather [hbm4b:s3+s2], $0x80, v4, vm0, $0xb8;
	[tilespmem:$0x1E400] =	vst v63  }
0xea: {  	s30 =	simm.s32 $0x9C00  }
0xeb: {  	[tilespmem:s30], [sflag:$0x1] =	stream.indirect_vreg.gather [hbm4b:s6+s2], $0x80, v4, vm1, $0xb8;
	[tilespmem:$0x1E400] =	vst v63  }
0xec: {  	s31 =	simm.s32 $0xA000  }
0xed: {  	[tilespmem:s31], [sflag:$0x1] =	stream.indirect_vreg.gather [hbm4b:s3+s2], $0x80, v3, vm0, $0xb8;
	[tilespmem:$0x1E400] =	vst v63  }
0xee: {  	s30 =	simm.s32 $0xA800  }
0xef: {  	[tilespmem:s30], [sflag:$0x1] =	stream.indirect_vreg.gather [hbm4b:s6+s2], $0x80, v3, vm1, $0xb8;
	[tilespmem:$0x1E400] =	vst v63  }
0xf0: {  	v3 =	vld [tilespmem:s25+$0xFFFFFFF0];
	_ =	sdelay $0x4  }
0xf1: {  	v59 =	vshrl.u32 v3, $0x3  }
0xf2: {  	v4 =	vmul.u32 $0x18, v59  }
0xf3: {  	v3 =	vand.u32 $0x7, v3  }
0xf4: {  	v3 =	vor.u32 v3, v4  }
0xf5: {  	v4 =	vperm.xlane v3, v0;
	_ =	sdelay $0x1  }
0xf6: {  	v4 =	vadd.s32 v1, v4;
	_ =	sdelay $0x1  }
0xf7: {  	v3 =	vperm.xlane v3, v2;
	_ =	sdelay $0x1  }
0xf8: {  	s31 =	simm.s32 $0xAC00;
	v3 =	vadd.s32 v1, v3  }
0xf9: {  	[tilespmem:s31], [sflag:$0x1] =	stream.indirect_vreg.gather [hbm4b:s3+s2], $0x80, v4, vm0, $0xb8;
	[tilespmem:$0x1E400] =	vst v63  }
0xfa: {  	_ = 	snop  }
0xfb: {  	[tilespmem:s1], [sflag:$0x1] =	stream.indirect_vreg.gather [hbm4b:s6+s2], $0x80, v4, vm1, $0xb8;
	[tilespmem:$0x1E400] =	vst v63  }
0xfc: {  	_ = 	snop  }
0xfd: {  	[tilespmem:s0], [sflag:$0x1] =	stream.indirect_vreg.gather [hbm4b:s3+s2], $0x80, v3, vm0, $0xb8;
	[tilespmem:$0x1E400] =	vst v63  }
0xfe: {  	_ = 	snop  }
0xff: {  	[tilespmem:s11], [sflag:$0x1] =	stream.indirect_vreg.gather [hbm4b:s6+s2], $0x80, v3, vm1, $0xb8;
	[tilespmem:$0x1E400] =	vst v63  }
0x100: {  	v3 =	vld [tilespmem:s25+$0x0];
	_ =	sdelay $0x4  }
0x101: {  	v60 =	vshrl.u32 v3, $0x3  }
0x102: {  	v4 =	vmul.u32 $0x18, v60  }
0x103: {  	v3 =	vand.u32 $0x7, v3  }
0x104: {  	v3 =	vor.u32 v3, v4  }
0x105: {  	v4 =	vperm.xlane v3, v0;
	_ =	sdelay $0x1  }
0x106: {  	v4 =	vadd.s32 v1, v4;
	_ =	sdelay $0x1  }
0x107: {  	v3 =	vperm.xlane v3, v2;
	_ =	sdelay $0x1  }
0x108: {  	v3 =	vadd.s32 v1, v3  }
0x109: {  	[tilespmem:s5], [sflag:$0x1] =	stream.indirect_vreg.gather [hbm4b:s3+s2], $0x80, v4, vm0, $0xb8;
	[tilespmem:$0x1E400] =	vst v63  }
0x10a: {  	_ = 	snop  }
0x10b: {  	[tilespmem:s7], [sflag:$0x1] =	stream.indirect_vreg.gather [hbm4b:s6+s2], $0x80, v4, vm1, $0xb8;
	[tilespmem:$0x1E400] =	vst v63  }
0x10c: {  	_ = 	snop  }
0x10d: {  	[tilespmem:s8], [sflag:$0x1] =	stream.indirect_vreg.gather [hbm4b:s3+s2], $0x80, v3, vm0, $0xb8;
	[tilespmem:$0x1E400] =	vst v63  }
0x10e: {  	_ = 	snop  }
0x10f: {  	[tilespmem:s9], [sflag:$0x1] =	stream.indirect_vreg.gather [hbm4b:s6+s2], $0x80, v3, vm1, $0xb8;
	[tilespmem:$0x1E400] =	vst v63  }
0x110: {  	v3 =	vld [tilespmem:s25+$0x10];
	_ =	sdelay $0x4  }
0x111: {  	v61 =	vshrl.u32 v3, $0x3  }
0x112: {  	v4 =	vmul.u32 $0x18, v61  }
0x113: {  	v3 =	vand.u32 $0x7, v3  }
0x114: {  	v3 =	vor.u32 v3, v4  }
0x115: {  	v4 =	vperm.xlane v3, v0;
	_ =	sdelay $0x1  }
0x116: {  	v4 =	vadd.s32 v1, v4;
	_ =	sdelay $0x1  }
0x117: {  	v3 =	vperm.xlane v3, v2;
	_ =	sdelay $0x1  }
0x118: {  	v3 =	vadd.s32 v1, v3  }
0x119: {  	[tilespmem:s10], [sflag:$0x1] =	stream.indirect_vreg.gather [hbm4b:s3+s2], $0x80, v4, vm0, $0xb8;
	[tilespmem:$0x1E400] =	vst v63  }
0x11a: {  	_ = 	snop  }
0x11b: {  	[tilespmem:s12], [sflag:$0x1] =	stream.indirect_vreg.gather [hbm4b:s6+s2], $0x80, v4, vm1, $0xb8;
	[tilespmem:$0x1E400] =	vst v63  }
0x11c: {  	_ = 	snop  }
0x11d: {  	[tilespmem:s13], [sflag:$0x1] =	stream.indirect_vreg.gather [hbm4b:s3+s2], $0x80, v3, vm0, $0xb8;
	[tilespmem:$0x1E400] =	vst v63  }
0x11e: {  	_ = 	snop  }
0x11f: {  	[tilespmem:s14], [sflag:$0x1] =	stream.indirect_vreg.gather [hbm4b:s6+s2], $0x80, v3, vm1, $0xb8;
	[tilespmem:$0x1E400] =	vst v63  }
0x120: {  	v3 =	vld [tilespmem:s25+$0x20];
	_ =	sdelay $0x4  }
0x121: {  	v62 =	vshrl.u32 v3, $0x3  }
0x122: {  	v4 =	vmul.u32 $0x18, v62  }
0x123: {  	v3 =	vand.u32 $0x7, v3  }
0x124: {  	v3 =	vor.u32 v3, v4  }
0x125: {  	v4 =	vperm.xlane v3, v0;
	_ =	sdelay $0x1  }
0x126: {  	v4 =	vadd.s32 v1, v4;
	_ =	sdelay $0x1  }
0x127: {  	v3 =	vperm.xlane v3, v2;
	_ =	sdelay $0x1  }
0x128: {  	v3 =	vadd.s32 v1, v3  }
0x129: {  	[tilespmem:s15], [sflag:$0x1] =	stream.indirect_vreg.gather [hbm4b:s3+s2], $0x80, v4, vm0, $0xb8;
	[tilespmem:$0x1E400] =	vst v63  }
0x12a: {  	_ = 	snop  }
0x12b: {  	[tilespmem:s16], [sflag:$0x1] =	stream.indirect_vreg.gather [hbm4b:s6+s2], $0x80, v4, vm1, $0xb8;
	[tilespmem:$0x1E400] =	vst v63  }
0x12c: {  	_ = 	snop  }
0x12d: {  	[tilespmem:s19], [sflag:$0x1] =	stream.indirect_vreg.gather [hbm4b:s3+s2], $0x80, v3, vm0, $0xb8;
	[tilespmem:$0x1E400] =	vst v63  }
0x12e: {  	_ = 	snop  }
0x12f: {  	[tilespmem:s20], [sflag:$0x1] =	stream.indirect_vreg.gather [hbm4b:s6+s2], $0x80, v3, vm1, $0xb8;
	[tilespmem:$0x1E400] =	vst v63  }
0x130: {  	v3 =	vld [tilespmem:s25+$0x30];
	_ =	sdelay $0x4  }
0x131: {  	v63 =	vshrl.u32 v3, $0x3  }
0x132: {  	v4 =	vmul.u32 $0x18, v63  }
0x133: {  	v3 =	vand.u32 $0x7, v3  }
0x134: {  	v3 =	vor.u32 v3, v4  }
0x135: {  	v4 =	vperm.xlane v3, v0;
	_ =	sdelay $0x1  }
0x136: {  	v4 =	vadd.s32 v1, v4;
	_ =	sdelay $0x1  }
0x137: {  	v3 =	vperm.xlane v3, v2;
	_ =	sdelay $0x1  }
0x138: {  	v3 =	vadd.s32 v1, v3  }
0x139: {  	[tilespmem:s21], [sflag:$0x1] =	stream.indirect_vreg.gather [hbm4b:s3+s2], $0x80, v4, vm0, $0xb8;
	[tilespmem:$0x1E400] =	vst v63  }
0x13a: {  	_ = 	snop  }
0x13b: {  	[tilespmem:s22], [sflag:$0x1] =	stream.indirect_vreg.gather [hbm4b:s6+s2], $0x80, v4, vm1, $0xb8;
	[tilespmem:$0x1E400] =	vst v63  }
0x13c: {  	_ = 	snop  }
0x13d: {  	[tilespmem:s23], [sflag:$0x1] =	stream.indirect_vreg.gather [hbm4b:s3+s2], $0x80, v3, vm0, $0xb8;
	[tilespmem:$0x1E400] =	vst v63  }
0x13e: {  	p0 =	seq.s32 s28, $0x0  }
0x13f: {  	[tilespmem:s24], [sflag:$0x1] =	stream.indirect_vreg.gather [hbm4b:s6+s2], $0x80, v3, vm1, $0xb8;
	[tilespmem:$0x1E400] =	vst v63  }
.Ltmp5:
0x140: {  	s29 =	simm.s32 @!p0 $0x2;
	s30 =	sshrl.u32 @!p0 s26, $0x3;
	(pc) =	sbr.rel .LBB2_5-.Ltmp5, $4  }
0x141: {  	s30 =	smul.u32 @!p0 $0x180, s30;
	_ =	swait.ge @!p0 [sflag:s29], $0xC000  }
0x142: {  	s31 =	simm.s32 @!p0 $0x12400;
	[sflag:s29] =	ssyncset.done @!p0 $0x0  }
0x143: {  	[sflag:s29] =	ssyncadd.s32 @!p0 $0xFFFF4000;
	s29 =	sadd.s32 @!p0 s4, s30;
	s30 =	simm.s32 @!p0 $0x0  }
0x144: {  	[hbm4b:s29+s30] =	stream.linear.scatter @!p0 [tilespmem:s31], [sflag:$0x4], $0xC000, $0x38;
	[tilespmem:$0x1E400] =	vst v63  }
.LBB2_7:
0x145: {  	_ =	sfence.sel $0x180000  }
0x146: {  	[bflag:$0x0] =	sbarrier.arrive $0xFFFF  }
0x147: {  	_ =	strace $0x90000047  }
0x148: {  	s0 =	stileid.u32;
	[bflag:$0x2] =	sbarrier.arrive $0xFFFF  }
0x149: {  	p0 =	sne.s32 s0, $0x0;
	s0 =	rddreg [dreg:$0x1]  }
0x14a: {  	s0 =	sadd.s32 @!p0 $0x100000, s0  }
0x14b: {  	[sflag:s0] =	ssyncadd.tile.s32 @!p0 $0x1;
	_ =	shalt  }
.Lfunc_end2:
_tile_overlayer_lowered:
.L_overlay_start_2:
0x14c: {  	(tag) =	ssettag $0x2  }
0x14d: {  	s0 =	rddreg [dreg:$0x0];
	s2 =	stileid.u32  }
0x14e: {  	s1 =	rddreg [dreg:$0x1];
	p0 =	sne.s32 s2, $0x0  }
0x14f: {  	s3 =	rddreg [dreg:$0x2];
	[bflag:$0x3] =	sbarrier.arrive $0xFFFF;
	s2 =	simm.s32 @!p0 $0x1C05  }
0x150: {  	[timem:s3], [sflag:s2] =	dma.local @!p0 [hbm:s0], s1  }
0x151: {  	s0 =	simm.s32 @!p0 $0x5  }
0x152: {  	_ =	swait.ge @!p0 [sflag:s0], s1  }
0x153: {  	s1 =	ssub.s32 @!p0 $0x0, s1;
	[sflag:s0] =	ssyncset.done @!p0 $0x0  }
0x154: {  	[sflag:s0] =	ssyncadd.s32 @!p0 s1  }
0x155: {  	[bflag:$0x3] =	sbarrier.arrive $0xFFFF  }
0x156: {  	_ =	shalt  }

// kernel: sparse-core-data-format-call.cloned.1.call-start
scs
called_computation_lowered:
.L_overlay_start_0:
0x0: {  	s2 =	sld [smem:$0x3FD9]  }
0x1: {  	s3 =	sld [smem:$0x3FFE];
	_ =	sdelay $0x1  }
0x2: {  	s1 =	srdreg.scid  }
0x3: {  	s0 =	sand.u32 $0x1, s1  }
0x4: {  	s18 =	sshll.u32 s0, $0xA;
	s2 =	sadd.s32 s3, s2  }
0x5: {  	s2 =	sadd.s32 s2, s18  }
0x6: {  	[smem:$0x3FC6] =	sst s2  }
0x7: {  	_ = 	snop  }
0x8: {  	s2 =	sld [smem:$0x3FD0];
	(tm) =	ssettm $0x1  }
0x9: {  	s19 =	sld [smem:$0x3FFB];
	_ =	sdelay $0x3  }
0xa: {  	_ =	strace s19  }
0xb: {  	s3 =	sld [smem:$0x3FFC];
	_ =	sdelay $0x3  }
0xc: {  	_ =	strace s3  }
0xd: {  	s3 =	sld [smem:$0x3FFD];
	_ =	sdelay $0x3  }
0xe: {  	_ =	strace s3  }
0xf: {  	_ =	strace $0x8FFFFFFF  }
0x10: {  	s20 =	sld [smem:$0x3FDB];
	_ =	sdelay $0x1  }
0x11: {  	s4 =	simm.s32 $_scs_section_size  }
0x12: {  	s5 =	simm.s32 $_size__tile_overlayer_lowered;
	s6 =	simm.s32 $_tile_overlayer_lowered  }
0x13: {  	s23 =	simm.s32 $0x1BFF;
	s22 =	sshll.u32 s6, $0x1;
	s3 =	sadd.s32 s4, s20  }
0x14: {  	s7 =	simm.s32 $0x0;
	s21 =	sshll.u32 s5, $0x1;
	s5 =	sadd.s32 s22, s3  }
0x15: {  	[timem:s7], [sflag:s23] =	dma.local [hbm:s5], s21  }
0x16: {  	_ =	swait.ge [sflag:s23], s21  }
0x17: {  	s4 =	ssub.s32 $0x0, s21;
	[sflag:s23] =	ssyncset.done $0x0  }
0x18: {  	[sflag:s23] =	ssyncadd.s32 s4;
	_ =	sdelay $0x1  }
0x19: {  	s24 =	simm.s32 $0x1B8B  }
0x1a: {  	_ =	swait.ge [sflag:s24], $0x1  }
0x1b: {  	[sflag:s24] =	ssyncset.done $0x0  }
0x1c: {  	s26 =	simm.s32 $0x1B8E;
	s25 =	sld [smem:$0x3FFE];
	[sflag:s24] =	ssyncadd.s32 $0xFFFFFFFF  }
0x1d: {  	s27 =	simm.s32 $execute0_lowered;
	[smem:$0x3FD2] =	sst s26  }
0x1e: {  	s5 =	sshll.u32 s27, $0x1;
	_ =	strace $0x80000049;
	[dreg:$0x1] =	wrdreg $0xFFFFFFFF  }
0x1f: {  	s28 =	simm.s32 $_size_execute0_lowered;
	s3 =	sadd.s32 s3, s5;
	[dreg:$0x0] =	wrdreg $0x0  }
0x20: {  	s5 =	sshll.u32 s28, $0x1;
	[dreg:$0x2] =	wrdreg s3  }
0x21: {  	[dreg:$0x3] =	wrdreg s5  }
0x22: {  	[dreg:$0x4] =	wrdreg $0xC0  }
0x23: {  	_ =	task [dreg:s7], $0x5FFFF  }
0x24: {  	[dreg:$0x1] =	wrdreg $0xFFFFFFFF  }
0x25: {  	[dreg:$0x0] =	wrdreg $0x60  }
0x26: {  	[dreg:$0x2] =	wrdreg s25  }
0x27: {  	[dreg:$0x3] =	wrdreg s2  }
0x28: {  	[dreg:$0x4] =	wrdreg $0x9  }
0x29: {  	_ =	task.clear_ibuf [dreg:s7], $0x5FFFF;
	_ =	strace $0x90000049  }
0x2a: {  	s29 =	simm.s32 $0x9;
	_ =	strace $0x8000004B  }
0x2b: {  	_ =	swait.ge [sflag:s29], $0x1  }
0x2c: {  	[sflag:s29] =	ssyncadd.s32 $0xFFFFFFFF  }
0x2d: {  	_ =	strace $0x9000004B  }
0x2e: {  	_ =	sfence  }
0x2f: {  	s30 =	sld [smem:$0x0];
	_ =	sdelay $0x2  }
0x30: {  	s31 =	sshll.u32 s1, $0xD;
	s1 =	sshrl.u32 s1, $0x2  }
0x31: {  	s3 =	sand.u32 $0x4000, s31;
	s1 =	sadd.s32 s1, s30  }
0x32: {  	s0 =	sor.u32 s3, s0;
	s1 =	sshll.u32 s1, $0x11  }
0x33: {  	s0 =	sor.u32 s1, s0  }
0x34: {  	s0 =	sadd.s32 $0x8F2B, s0  }
0x35: {  	[sflag:s0] =	ssyncadd.remote.s32 $0x1  }
0x36: {  	_ =	sfence.sel $0xFFFF  }
0x37: {  	[dreg:$0x0] =	wrdreg $0xFFFFFFFF;
	(pc) =	sbr.abs _section_cstart, $3  }
0x38: {  	[dreg:$0x1] =	wrdreg $0xFFFFFFFF  }
0x39: {  	_ =	task.clear_ibuf [dreg:s7], $0x2FFFF;
	_ =	strace $0x9FFFFFFF  }
0x3a: {  	(tm) =	ssettm $0x7FFFFFFF  }
0x3b: {  	_ =	shalt  }
tec
execute0_lowered:
.L_overlay_start_1:
0x0: {  	(tag) =	ssettag $0x1  }
0x1: {  	s0 =	srdreg.scid;
	s6 =	rddreg [dreg:$0x0]  }
0x2: {  	s3 =	rddreg [dreg:$0x1];
	s1 =	sshll.u32 s0, $0x4  }
0x3: {  	s5 =	simm.s32 $0x1;
	s0 =	stileid.u32;
	s1 =	sand.u32 $0x10, s1  }
0x4: {  	s31 =	simm.s32 $0x2;
	s18 =	simm.s32 $0x0;
	s1 =	sor.u32 s0, s1  }
0x5: {  	s8 =	simm.s32 $0xC8000;
	s17 =	simm.s32 $0x0;
	s2 =	sshll.u32 s1, $0x7  }
0x6: {  	s16 =	simm.s32 $0x0;
	s9 =	simm.s32 $0x0;
	s4 =	ssub.s32 $0x1000, s2  }
0x7: {  	s10 =	simm.s32 $0x0;
	s11 =	simm.s32 $0x0;
	s30 =	sand.u32 $0xF80, s4  }
0x8: {  	s12 =	simm.s32 $0x0;
	s13 =	simm.s32 $0x0;
	p0 =	sne.s32 s30, $0x0  }
.Ltmp0:
0x9: {  	s7 =	sshrl.u32 s4, $0xC;
	s5 =	simm.s32 @!p0 $0x0;
	(pc) =	sbr.rel .LBB1_1-.Ltmp0, $4  }
0xa: {  	s15 =	simm.s32 $0x0;
	s1 =	rddreg [dreg:$0x2];
	s5 =	sadd.s32 s5, s7  }
0xb: {  	_ =	strace $0x8000004A;
	s4 =	simm.s32 $0x1;
	s5 =	smul.u32 $0x258, s5  }
0xc: {  	s6 =	sadd.s32 $0x4AD600, s6;
	s14 =	smov.u32 s2;
	[sflag:s4] =	ssyncpa.u1 $0x0  }
0xd: {  	[sflag:s31] =	ssyncpa.u1 $0x0;
	p0 =	por $0x0, $0x0;
	s7 =	sor.u32 $0x1, s5  }
.LBB1_4:
0xe: {  	s23 =	sshra.s32 s23, $0x2;
	s24 =	sshll.u32 s10, $0xC  }
0xf: {  	p1 =	sgt.s32 s10, $0xC7;
	s26 =	smov.u32 s10;
	s27 =	sshra.s32 s10, $0x1F  }
0x10: {  	s28 =	smov.u32 s9;
	s29 =	sshra.s32 s11, $0x1F;
	s22 =	sadd.s32 s23, s22  }
0x11: {  	s30 =	sand.u32 $0xFFFF8000, s24;
	s24 =	sshll.u32 s11, $0x3;
	s26 =	simm.s32 @!p1 $0xC7  }
0x12: {  	p1 =	sgt.s32 s9, $0xAC;
	s27 =	sand.u32 s27, s10;
	s31 =	sand.u32 s29, s11  }
0x13: {  	s29 =	sshll.u32 s10, $0x7;
	s25 =	sand.u32 $0xFFFFFC00, s24;
	s28 =	simm.s32 @!p1 $0xAC  }
0x14: {  	p1 =	sgt.s32 s11, $0xF80;
	s23 =	sadd.s32 s25, s30;
	s25 =	ssub.s32 s26, s27  }
0x15: {  	[tilespmem:s21+$0x2040 ss:$0x81] =	vst.msk $0xffff, v4;
	s27 =	smov.u32 s11;
	s30 =	sshra.s32 s9, $0x1F;
	s26 =	sadd.s32 $0xFFFFFF39, s25  }
0x16: {  	v5 =	vld [tilespmem:s20+$0xFFFFFFD0];
	[tilespmem:s21+$0x2850 ss:$0x81] =	vst.msk $0xffff, v3;
	s27 =	simm.s32 @!p1 $0xF80;
	s23 =	sshrl.u32 s23, $0xC;
	s25 =	ssub.s32 $0xC8, s25  }
0x17: {  	v58 =	vld [tilespmem:s20+$0xFFFFFFE0];
	[tilespmem:s21+$0x3060 ss:$0x81] =	vst.msk $0xffff, v2;
	p1 =	sgt.s32 s26, $0x0;
	s26 =	ssub.s32 s27, s31;
	s27 =	sand.u32 s30, s9  }
0x18: {  	v59 =	vld [tilespmem:s20+$0xFFFFFFF0];
	[tilespmem:s21+$0x0 ss:$0x81] =	vst.msk $0xffff, v1;
	s21 =	smulhi.u32 $0x147AE15, s23;
	s30 =	sand.u32 $0x78, s11;
	s27 =	ssub.s32 s28, s27  }
0x19: {  	v60 =	vld [tilespmem:s20+$0x0];
	s25 =	simm.s32 @p1 $0x0;
	s31 =	sadd.s32 $0xFFFFF080, s26;
	s26 =	ssub.s32 $0x1000, s26  }
0x1a: {  	v61 =	vld [tilespmem:s20+$0x10];
	[tilespmem:s22+$0x3870 ss:$0x81] =	vst.msk $0xffff, v0;
	p1 =	sgt.s32 s31, $0x7F;
	s28 =	sadd.s32 $0xFFFFFF54, s27;
	s31 =	sand.u32 $0x380, s29  }
0x1b: {  	v62 =	vld [tilespmem:s20+$0x20];
	[tilespmem:s22+$0x810 ss:$0x81] =	vst.msk $0xffff, v5;
	s29 =	sand.u32 $0xC00, s24;
	s21 =	smul.u32 $0xC8, s21;
	s24 =	ssub.s32 $0x12C, s27  }
0x1c: {  	v63 =	vld [tilespmem:s20+$0xFFFFFFC0];
	[tilespmem:s22+$0x1020 ss:$0x81] =	vst.msk $0xffff, v58;
	s26 =	simm.s32 @p1 $0x0;
	s20 =	sor.u32 s30, s29;
	s30 =	smul.u32 $0x19000, s9  }
0x1d: {  	[tilespmem:s22+$0x1830 ss:$0x81] =	vst.msk $0xffff, v59;
	p1 =	sgt.s32 s28, $0x7F;
	s28 =	sand.u32 $0x7, s11;
	s25 =	smul.u32 s26, s25  }
0x1e: {  	[tilespmem:s22+$0x2040 ss:$0x81] =	vst.msk $0xffff, v60;
	s24 =	simm.s32 @p1 $0x0;
	s20 =	sor.u32 s31, s20;
	s21 =	ssub.s32 s23, s21  }
0x1f: {  	[tilespmem:s22+$0x2850 ss:$0x81] =	vst.msk $0xffff, v61;
	s20 =	sshrl.u32 s20, $0x3;
	s27 =	sadd.s32 s3, s30;
	s31 =	smul.u32 s24, s25  }
0x20: {  	[tilespmem:s22+$0x3060 ss:$0x81] =	vst.msk $0xffff, v62;
	s29 =	sshll.u32 s28, $0x12;
	s21 =	sshll.u32 s21, $0x9;
	s20 =	sadd.s32 s20, s27  }
0x21: {  	[tilespmem:s22+$0x0 ss:$0x81] =	vst.msk $0xffff, v63;
	s20 =	sadd.s32 s21, s20;
	s30 =	sand.u32 $0x3FFFFFFF, s31;
	s31 =	sor.u32 $0x80, s29  }
0x22: {  	[hbm4b:s20+s31] =	stream.strided.scatter [tilespmem:s19], [sflag:$0x2], s30, s8, s31, $0x20;
	[tilespmem:$0x10100] =	vst v63  }
.LBB1_5:
0x23: {  	p1 =	slt.u32 s15, $0x2  }
0x24: {  	p2 =	sgt.s32 @!p1 s18, $0xAC  }
0x25: {  	s19 =	smov.u32 s18;
	s20 =	sshra.s32 @!p1 s18, $0x1F;
	p2 =	por !p2, p1  }
0x26: {  	s18 =	sand.u32 @!p1 s20, s18;
	s19 =	simm.s32 @p2 $0xAC  }
0x27: {  	s20 =	sshra.s32 @!p1 s17, $0x1F;
	p2 =	sgt.s32 @!p1 s17, $0xC7;
	s18 =	ssub.s32 @!p1 s19, s18  }
0x28: {  	p2 =	por !p2, p1;
	s19 =	smov.u32 s17;
	s17 =	sand.u32 @!p1 s20, s17  }
0x29: {  	s20 =	sshra.s32 @!p1 s16, $0x1F;
	s19 =	simm.s32 @p2 $0xC7;
	p2 =	sgt.s32 @!p1 s16, $0xF80  }
0x2a: {  	s17 =	ssub.s32 @!p1 s19, s17;
	p2 =	por !p2, p1;
	s19 =	smov.u32 s16  }
0x2b: {  	s16 =	sand.u32 @!p1 s20, s16;
	s20 =	sadd.s32 @!p1 $0xFFFFFF39, s17;
	s19 =	simm.s32 @p2 $0xF80  }
0x2c: {  	p2 =	sgt.s32 @!p1 s20, $0x0;
	s16 =	ssub.s32 @!p1 s19, s16  }
0x2d: {  	s17 =	ssub.s32 @!p1 $0xC8, s17;
	p2 =	por !p2, p1;
	s19 =	sadd.s32 @!p1 $0xFFFFF080, s16  }
0x2e: {  	s17 =	simm.s32 @!p2 $0x0;
	p2 =	sgt.s32 @!p1 s19, $0x7F  }
0x2f: {  	s21 =	smov.u32 s14;
	s16 =	ssub.s32 @!p1 $0x1000, s16;
	p2 =	por !p2, p1  }
0x30: {  	s20 =	sadd.s32 @!p1 $0xFFFFFF54, s18;
	s19 =	sadd.s32 $0x80, s12;
	s16 =	simm.s32 @!p2 $0x0  }
0x31: {  	p2 =	sgt.s32 s19, $0x12B;
	s16 =	smul.u32 @!p1 s16, s17;
	s17 =	simm.s32 $0x1  }
0x32: {  	p0 =	por !p0, !p0;
	p3 =	sgt.s32 @!p1 s20, $0x7F;
	s17 =	simm.s32 @!p2 $0x0  }
0x33: {  	s18 =	ssub.s32 @!p1 $0x12C, s18;
	p3 =	por !p3, p1;
	s20 =	sadd.s32 s17, s13  }
0x34: {  	s18 =	simm.s32 @!p3 $0x0;
	s17 =	sadd.s32 $0x1000, s14;
	p3 =	sgt.s32 s20, $0xC7  }
0x35: {  	s22 =	simm.s32 @!p1 $0x2;
	s19 =	simm.s32 @p2 $0x0;
	s21 =	smov.u32 @p3 s17  }
0x36: {  	s16 =	smul.u32 @!p1 s18, s16;
	s18 =	smov.u32 s9;
	p2 =	sgt.s32 s21, $0xFFF  }
0x37: {  	s9 =	smov.u32 s12;
	s21 =	smov.u32 @p2 s2;
	p2 =	sne.s32 s15, s7  }
.Ltmp1:
0x38: {  	s12 =	smov.u32 s19;
	s16 =	sand.u32 @!p1 $0x3FFFFFFF, s16;
	(pc) =	sbr.rel @!p2 .LBB1_6-.Ltmp1, $4  }
0x39: {  	s20 =	simm.s32 @p3 $0x0;
	s17 =	smov.u32 s10;
	s10 =	smov.u32 s13  }
0x3a: {  	_ =	swait.ge @!p1 [sflag:s22], s16;
	s23 =	ssub.s32 @!p1 $0x0, s16;
	s16 =	smov.u32 s11  }
0x3b: {  	s11 =	smov.u32 s14;
	s13 =	smov.u32 s20;
	[sflag:s22] =	ssyncset.done @!p1 $0x0  }
0x3c: {  	s15 =	sadd.s32 $0x1, s15;
	[sflag:s22] =	ssyncadd.s32 @!p1 s23;
	s14 =	smov.u32 s21  }
.LBB1_1:
0x3d: {  	p1 =	sge.u32 s15, s5  }
0x3e: {  	s19 =	sshrl.u32 @!p1 s13, $0x3  }
0x3f: {  	s20 =	sshll.u32 @!p1 s12, $0x3;
	s19 =	smul.u32 @!p1 $0xC00, s19  }
0x40: {  	s21 =	sshll.u32 @!p1 s13, $0x7;
	s20 =	sand.u32 @!p1 $0xFFFFFC00, s20  }
0x41: {  	s19 =	sadd.s32 @!p1 s19, s20;
	s20 =	sand.u32 @!p1 $0x380, s21  }
0x42: {  	s19 =	sor.u32 @!p1 s20, s19  }
0x43: {  	s20 =	sand.u32 @!p1 $0x7F, s12;
	s21 =	smulhi.u32 @!p1 $0xAAAAAAAB, s19  }
0x44: {  	s19 =	sor.u32 @!p1 s20, s19  }
0x45: {  	s20 =	smulhi.u32 @!p1 $0xAAAAAAAB, s19;
	s21 =	sshrl.u32 @!p1 s21, $0x8  }
0x46: {  	s22 =	smulhi.u32 @!p1 $0x147AE15, s21;
	_ =	sdelay $0x1  }
0x47: {  	s20 =	sshrl.u32 @!p1 s20, $0x8;
	s22 =	smul.u32 @!p1 $0xC8, s22  }
0x48: {  	s31 =	sadd.s32 $0xFFFFFFFF, s15;
	s20 =	smul.u32 @!p1 $0x180, s20  }
0x49: {  	s23 =	sxor.u32 @!p1 $0xFFFFFFFF, s15;
	s21 =	ssub.s32 @!p1 s21, s22;
	s22 =	smul.u32 @!p1 $0x2580, s14  }
0x4a: {  	s23 =	sshll.u32 @!p1 s23, $0xE;
	s19 =	ssub.s32 @!p1 s19, s20;
	s20 =	smul.u32 @!p1 $0x30, s21  }
0x4b: {  	s21 =	sand.u32 @!p1 $0x4000, s23;
	s23 =	sand.u32 @!p1 $0x7, s19;
	s22 =	sadd.s32 @!p1 s6, s22  }
0x4c: {  	s19 =	sshrl.u32 @!p1 s19, $0x3;
	s20 =	sadd.s32 @!p1 s20, s22;
	s22 =	sshll.u32 @!p1 s23, $0x12  }
0x4d: {  	s19 =	sadd.s32 @!p1 s19, s20;
	s20 =	sor.u32 @!p1 $0x80, s22;
	s22 =	simm.s32 @!p1 $0x12C00  }
0x4e: {  	[tilespmem:s21], [sflag:$0x1] =	stream.strided.gather @!p1 [hbm4b:s19+s20], $0x4000, s22, s20, $0x38;
	[tilespmem:$0x10100] =	vst v63  }
0x4f: {  	p1 =	sge.u32 s31, s5  }
.Ltmp2:
0x50: {  	_ = 	snop;
	(pc) =	sbr.rel @p1 .LBB1_5-.Ltmp2, $1  }
0x51: {  	_ =	sdelay $0x3  }
0x52: {  	s19 =	simm.s32 $0x1  }
0x53: {  	_ =	swait.ge [sflag:s4], $0x4000;
	s19 =	simm.s32 @!p0 $0x0  }
0x54: {  	[sflag:s4] =	ssyncset.done $0x0;
	s20 =	sshll.u32 s19, $0xE  }
0x55: {  	[sflag:s4] =	ssyncadd.s32 $0xFFFFC000;
	s20 =	sor.u32 $0x40, s20  }
0x56: {  	s19 =	smul.u32 $0x10200, s19;
	v0 =	vld [tilespmem:s20+$0x30]  }
0x57: {  	v1 =	vld [tilespmem:s20+$0xFFFFFFD0]  }
0x58: {  	s19 =	sshrl.u32 s19, $0x2;
	v5 =	vld [tilespmem:s20+$0xFFFFFFE0]  }
0x59: {  	v6 =	vld [tilespmem:s20+$0xFFFFFFF0];
	s22 =	sor.u32 $0x8000, s19  }
0x5a: {  	s31 =	sand.u32 $0x1, s15;
	v4 =	vld [tilespmem:s20+$0x0];
	s21 =	sadd.s32 $0x0, s22  }
0x5b: {  	v3 =	vld [tilespmem:s20+$0x10];
	s19 =	smul.u32 $0x10200, s31;
	[tilespmem:s21+$0x3870 ss:$0x81] =	vst.msk $0xffff, v0  }
0x5c: {  	v2 =	vld [tilespmem:s20+$0x20];
	[tilespmem:s21+$0x810 ss:$0x81] =	vst.msk $0xffff, v1  }
0x5d: {  	s19 =	sshrl.u32 s19, $0x2;
	v1 =	vld [tilespmem:s20+$0xFFFFFFC0];
	[tilespmem:s21+$0x1020 ss:$0x81] =	vst.msk $0xffff, v5;
	s20 =	sadd.s32 $0x80, s20  }
0x5e: {  	s23 =	simm.s32 $0x4;
	s24 =	simm.s32 $0x8;
	s19 =	sor.u32 $0x8000, s19;
	[tilespmem:s21+$0x1830 ss:$0x81] =	vst.msk $0xffff, v6;
	v0 =	vld [tilespmem:s20+$0x30]  }
.LBB1_3:
0x5f: {  	p1 =	sne.s32 s24, $0x1FC;
	v5 =	vld [tilespmem:s20+$0xFFFFFFD0];
	[tilespmem:s21+$0x2040 ss:$0x81] =	vst.msk $0xffff, v4  }
0x60: {  	v6 =	vld [tilespmem:s20+$0xFFFFFFE0];
	[tilespmem:s21+$0x2850 ss:$0x81] =	vst.msk $0xffff, v3  }
0x61: {  	s25 =	sshra.s32 s23, $0x2;
	s23 =	smov.u32 s24;
	v7 =	vld [tilespmem:s20+$0xFFFFFFF0];
	[tilespmem:s21+$0x3060 ss:$0x81] =	vst.msk $0xffff, v2  }
.Ltmp3:
0x62: {  	v4 =	vld [tilespmem:s20+$0x0];
	[tilespmem:s21+$0x0 ss:$0x81] =	vst.msk $0xffff, v1;
	s21 =	sadd.s32 s25, s22;
	(pc) =	sbr.rel @p1 .LBB1_3-.Ltmp3, $4  }
0x63: {  	v3 =	vld [tilespmem:s20+$0x10];
	[tilespmem:s21+$0x3870 ss:$0x81] =	vst.msk $0xffff, v0  }
0x64: {  	[tilespmem:s21+$0x810 ss:$0x81] =	vst.msk $0xffff, v5;
	v2 =	vld [tilespmem:s20+$0x20]  }
0x65: {  	v1 =	vld [tilespmem:s20+$0xFFFFFFC0];
	[tilespmem:s21+$0x1020 ss:$0x81] =	vst.msk $0xffff, v6;
	s20 =	sadd.s32 $0x80, s20  }
0x66: {  	s24 =	sadd.s32 $0x4, s24;
	v0 =	vld [tilespmem:s20+$0x30];
	[tilespmem:s21+$0x1830 ss:$0x81] =	vst.msk $0xffff, v7  }
.Ltmp4:
0x67: {  	_ = 	snop;
	(pc) =	sbr.rel .LBB1_4-.Ltmp4, $1  }
0x68: {  	_ =	sdelay $0x3  }
.LBB1_6:
0x69: {  	_ =	sfence.sel $0x180000  }
0x6a: {  	s2 =	simm.s32 $0x1;
	[bflag:$0x0] =	sbarrier.arrive $0xFFFF  }
0x6b: {  	s31 =	simm.s32 $0x2;
	[sflag:s2] =	ssyncpa.u1 $0x1  }
0x6c: {  	[sflag:s31] =	ssyncpa.u1 $0x1  }
0x6d: {  	p0 =	sne.s32 s0, $0x0;
	_ =	strace $0x9000004A  }
0x6e: {  	s0 =	sadd.s32 @!p0 $0x100000, s1;
	[bflag:$0x2] =	sbarrier.arrive $0xFFFF  }
0x6f: {  	[sflag:s0] =	ssyncadd.tile.s32 @!p0 $0x1;
	_ =	shalt  }
.Lfunc_end1:
_tile_overlayer_lowered:
.L_overlay_start_2:
0x70: {  	(tag) =	ssettag $0x2  }
0x71: {  	s0 =	rddreg [dreg:$0x0];
	s2 =	stileid.u32  }
0x72: {  	s1 =	rddreg [dreg:$0x1];
	p0 =	sne.s32 s2, $0x0  }
0x73: {  	s3 =	rddreg [dreg:$0x2];
	[bflag:$0x3] =	sbarrier.arrive $0xFFFF;
	s2 =	simm.s32 @!p0 $0x1C01  }
0x74: {  	[timem:s3], [sflag:s2] =	dma.local @!p0 [hbm:s0], s1  }
0x75: {  	s0 =	simm.s32 @!p0 $0x1  }
0x76: {  	_ =	swait.ge @!p0 [sflag:s0], s1  }
0x77: {  	s1 =	ssub.s32 @!p0 $0x0, s1;
	[sflag:s0] =	ssyncset.done @!p0 $0x0  }
0x78: {  	[sflag:s0] =	ssyncadd.s32 @!p0 s1  }
0x79: {  	[bflag:$0x3] =	sbarrier.arrive $0xFFFF  }
0x7a: {  	_ =	shalt  }

</sc_bundles>
